<compile_context>
chip_gen: v7x
topology: tpu7x:2x2x1
jax: 0.10.2.dev20260603
libtpu: 0.0.44.dev20260713+nightly
codegen_flags: <defaults>
</compile_context>

<pallas_src>
import functools

import jax
import jax.numpy as jnp
from jax import lax
from jax.experimental import pallas as pl
from jax.experimental.pallas import tpu as pltpu
from jax.experimental.pallas import tpu_sc as plsc

ROWS = 16384
COLS = 200
NSEL = 100

_info = plsc.get_sparse_core_info()
NC, NS, L = _info.num_cores, _info.num_subcores, _info.num_lanes
NW = NC * NS
NBLK = NSEL // L
NTAIL = NSEL - NBLK * L
SPLIT = 16
SEG = ROWS // SPLIT
SEGT = ROWS // NW
FULL_PER_W = NBLK * SPLIT // NW

_mesh = plsc.VectorSubcoreMesh(core_axis_name="c", subcore_axis_name="s")


@functools.partial(
    pl.kernel,
    mesh=_mesh,
    out_type=jax.ShapeDtypeStruct((NSEL, ROWS), jnp.float32),
    scratch_types=[
        pltpu.VMEM((NSEL,), jnp.int32),
        pltpu.VMEM((L, SEG), jnp.float32),
        pltpu.VMEM((L, SEG), jnp.float32),
        pltpu.VMEM((L, SEG), jnp.float32),
        pltpu.VMEM((L, SEG), jnp.float32),
        pltpu.SemaphoreType.DMA,
        pltpu.SemaphoreType.DMA,
        pltpu.SemaphoreType.DMA,
        pltpu.SemaphoreType.DMA,
        pltpu.SemaphoreType.DMA,
        pltpu.SemaphoreType.DMA,
        pltpu.SemaphoreType.DMA,
        pltpu.SemaphoreType.DMA,
    ],
    compiler_params=pltpu.CompilerParams(
        needs_layout_passes=False, use_tc_tiling_on_sc=True
    ),
)
def _sc_rowgather(inT_hbm, idx_hbm, outT_hbm, idx_v,
                  b0, b1, b2, b3, g0, g1, g2, g3, s0, s1, s2, s3):
    wid = lax.axis_index("s") * NC + lax.axis_index("c")
    pltpu.sync_copy(idx_hbm, idx_v)
    lanes = lax.iota(jnp.int32, L)
    bufs = (b0, b1, b2, b3)
    gsems = (g0, g1, g2, g3)
    ssems = (s0, s1, s2, s3)
    NT = FULL_PER_W + 1

    def coords(k):
        if k >= 1:
            t = wid * FULL_PER_W + (k - 1)
            j0 = (t % NBLK) * L
            col0 = pl.multiple_of((t // NBLK) * SEG, SEG)
        else:
            j0 = NBLK * L
            col0 = pl.multiple_of(wid * SEGT, SEGT)
        return j0, col0

    def start_gather(k):
        j0, col0 = coords(k)
        rows = plsc.load_gather(idx_v, [jnp.minimum(j0 + lanes, NSEL - 1)])
        if k >= 1:
            src = inT_hbm.at[rows, pl.ds(col0, SEG)]
            dst = bufs[k % 4]
        else:
            src = inT_hbm.at[rows, pl.ds(col0, SEGT)]
            dst = bufs[k % 4].at[:, pl.ds(0, SEGT)]
        cp = pltpu.make_async_copy(src, dst, gsems[k % 4])
        cp.start()
        return cp

    def start_scatter(k):
        j0, col0 = coords(k)
        b = k % 4
        if k >= 1:
            cp = pltpu.make_async_copy(
                bufs[b], outT_hbm.at[pl.ds(j0, L), pl.ds(col0, SEG)], ssems[b]
            )
            cp.start()
            return [cp]
        descs = []
        for i in range(NTAIL):
            cp = pltpu.make_async_copy(
                bufs[b].at[i, pl.ds(0, SEGT)],
                outT_hbm.at[j0 + i, pl.ds(col0, SEGT)],
                ssems[b],
            )
            cp.start()
            descs.append(cp)
        return descs

    gd = [start_gather(k) for k in range(NT)]
    pend = []
    for k in range(NT):
        gd[k].wait()
        pend.extend(start_scatter(k))
    for cp in pend:
        cp.wait()


def kernel(inputs, categorical_idx):
    outT = _sc_rowgather(inputs.T, categorical_idx)
    return outT.T

# --- scband reference (transcript-rebuilt; emitter-appended) ---
"""Pipeline reference for scband-categorical-extraction-58772332478464 (READ-ONLY COPY).

The authoritative reference and input builder live on the scoring server;
editing this copy changes nothing except your own understanding.
"""

import jax, jax.numpy as jnp
import numpy as np

CATEGORICAL_IDX = list(range(0, 200, 2))  # 100 categorical column indices


def setup_inputs(seed: int = 0) -> dict:
    key = jax.random.key(seed)
    inputs = jax.random.normal(key, (16384, 200), dtype=jnp.float32)
    categorical_idx = jnp.asarray(CATEGORICAL_IDX, dtype=jnp.int32)
    return {"inputs": inputs, "categorical_idx": categorical_idx}


def reference(inputs, categorical_idx):
    # Faithful translation of keras.ops.take(inputs, indices=categorical_idx, axis=1)
    categorical_features = jnp.take(inputs, categorical_idx, axis=1)
    return categorical_features

if __name__ == "__main__":
    import jax
    _d = setup_inputs()
    print(jax.jit(kernel)(*tuple(_d.values())))

</pallas_src>

<mosaic_0001>
#map = affine_map<(d0, d1) -> (0, 0)>
#map1 = affine_map<(d0, d1) -> (0)>
module attributes {stable_mosaic.version = 14 : i64} {
  func.func @_sc_rowgather(%arg0: i32, %arg1: i32, %arg2: memref<200x16384xf32, #tpu.memory_space<hbm>>, %arg3: memref<100xi32, #tpu.memory_space<hbm>>, %arg4: memref<100x16384xf32, #tpu.memory_space<hbm>>, %arg5: memref<100xi32, #tpu.memory_space<vmem>>, %arg6: memref<16x1024xf32, #tpu.memory_space<vmem>>, %arg7: memref<16x1024xf32, #tpu.memory_space<vmem>>, %arg8: memref<16x1024xf32, #tpu.memory_space<vmem>>, %arg9: memref<16x1024xf32, #tpu.memory_space<vmem>>, %arg10: memref<!tpu.dma_semaphore, #tpu.memory_space<semaphore_mem>>, %arg11: memref<!tpu.dma_semaphore, #tpu.memory_space<semaphore_mem>>, %arg12: memref<!tpu.dma_semaphore, #tpu.memory_space<semaphore_mem>>, %arg13: memref<!tpu.dma_semaphore, #tpu.memory_space<semaphore_mem>>, %arg14: memref<!tpu.dma_semaphore, #tpu.memory_space<semaphore_mem>>, %arg15: memref<!tpu.dma_semaphore, #tpu.memory_space<semaphore_mem>>, %arg16: memref<!tpu.dma_semaphore, #tpu.memory_space<semaphore_mem>>, %arg17: memref<!tpu.dma_semaphore, #tpu.memory_space<semaphore_mem>>) attributes {dimension_semantics = [#tpu.dimension_semantics<core_parallel>, #tpu.dimension_semantics<subcore_parallel>], iteration_bounds = array<i64: 2, 16>, scalar_prefetch = 0 : i64, scratch_operands = 13 : i64, tpu.core_type = #tpu.core_type<sc_vector_subcore>, window_params = [{transform_indices = #map}, {transform_indices = #map1}, {transform_indices = #map}]} {
    %mul3A = arith.constant 2 : i32
    %mul3A_0 = arith.muli %arg1, %mul3A : i32
    %add3A = arith.addi %mul3A_0, %arg0 : i32
    "tpu.region"() ({
      %run_scoped3A = tpu.sem_alloc : memref<!tpu.dma_semaphore, #tpu.memory_space<semaphore_mem>>
      tpu.enqueue_dma source(%arg3 : memref<100xi32, #tpu.memory_space<hbm>>) target(%arg5 : memref<100xi32, #tpu.memory_space<vmem>>) target_semaphore(%run_scoped3A : memref<!tpu.dma_semaphore, #tpu.memory_space<semaphore_mem>>)
      tpu.wait_dma2 semaphore(%run_scoped3A : memref<!tpu.dma_semaphore, #tpu.memory_space<semaphore_mem>>) src(%arg3 : memref<100xi32, #tpu.memory_space<hbm>>) dst(%arg5 : memref<100xi32, #tpu.memory_space<vmem>>)
      tpu.yield
    }) : () -> ()
    %iota3A = tpu.iota {dimensions = array<i32: 0>} : vector<16xi32>
    %mul3A_1 = arith.constant 512 : i32
    %mul3A_2 = arith.muli %add3A, %mul3A_1 : i32
    %multiple_of3A = tpu.assume_multiple %mul3A_2, 512 : i32
    %add3A_3 = arith.constant 96 : i32
    %add3A_4 = vector.broadcast %add3A_3 : i32 to vector<16xi32>
    %add3A_5 = arith.addi %add3A_4, %iota3A : vector<16xi32>
    %min3A = arith.constant 99 : i32
    %min3A_6 = vector.broadcast %min3A : i32 to vector<16xi32>
    %min3A_7 = arith.minsi %add3A_5, %min3A_6 : vector<16xi32>
    %gather3A = tpu.vector_load_idx %arg5[%min3A_7] : memref<100xi32, #tpu.memory_space<vmem>>[vector<16xi32>], vector<16xi32>,
    %dma_start3A = arith.constant 0 : i32
    %dma_start3A_8 = arith.constant 0 : i32
    %dma_start3A_9 = tpu.memref_slice %arg6[%dma_start3A, %dma_start3A_8] : memref<16x1024xf32, #tpu.memory_space<vmem>> -> memref<16x512xf32, #tpu.memory_space<vmem>>
    %dma_start3A_10 = arith.constant 0 : i32
    %dma_start3A_11 = tpu.memref_slice %arg2[%dma_start3A_10, %multiple_of3A] : memref<200x16384xf32, #tpu.memory_space<hbm>> -> memref<200x512xf32, #tpu.memory_space<hbm>>
    tpu.enqueue_indirect_dma source(%dma_start3A_11 : memref<200x512xf32, #tpu.memory_space<hbm>>) target(%dma_start3A_9 : memref<16x512xf32, #tpu.memory_space<vmem>>) offsets(%gather3A : vector<16xi32>) semaphore(%arg10 : memref<!tpu.dma_semaphore, #tpu.memory_space<semaphore_mem>>)
    %mul3A_12 = arith.constant 3 : i32
    %mul3A_13 = arith.muli %add3A, %mul3A_12 : i32
    %add3A_14 = arith.constant 0 : i32
    %add3A_15 = arith.addi %mul3A_13, %add3A_14 : i32
    %jit3A = arith.constant 6 : i32
    %eq3A = arith.constant 0 : i32
    %eq3A_16 = arith.cmpi eq, %jit3A, %eq3A : i32
    %jit3A_17 = arith.constant 1 : i32
    %select_n3A = arith.select %eq3A_16, %jit3A_17, %jit3A : i32
    %rem3A = arith.remsi %add3A_15, %select_n3A : i32
    %ne3A = arith.constant 0 : i32
    %ne3A_18 = arith.cmpi ne, %rem3A, %ne3A : i32
    %lt3A = arith.constant 0 : i32
    %lt3A_19 = arith.cmpi slt, %rem3A, %lt3A : i32
    %lt3A_20 = arith.constant 0 : i32
    %lt3A_21 = arith.cmpi slt, %select_n3A, %lt3A_20 : i32
    %ne3A_22 = arith.xori %lt3A_19, %lt3A_21 : i1
    %and3A = arith.andi %ne3A_22, %ne3A_18 : i1
    %add3A_23 = arith.addi %rem3A, %select_n3A : i32
    %select_n3A_24 = arith.select %and3A, %add3A_23, %rem3A : i32
    %mul3A_25 = arith.constant 16 : i32
    %mul3A_26 = arith.muli %select_n3A_24, %mul3A_25 : i32
    %jit3A_27 = arith.constant 6 : i32
    %div3A = arith.divsi %add3A_15, %jit3A_27 : i32
    %sign3A = arith.constant 0 : i32
    %sign3A_28 = arith.cmpi sgt, %add3A_15, %sign3A : i32
    %sign3A_29 = arith.extui %sign3A_28 : i1 to i32
    %sign3A_30 = arith.constant 0 : i32
    %sign3A_31 = arith.cmpi slt, %add3A_15, %sign3A_30 : i32
    %sign3A_32 = arith.extui %sign3A_31 : i1 to i32
    %sign3A_33 = arith.subi %sign3A_29, %sign3A_32 : i32
    %sign3A_34 = arith.constant 0 : i32
    %sign3A_35 = arith.cmpi sgt, %jit3A_27, %sign3A_34 : i32
    %sign3A_36 = arith.extui %sign3A_35 : i1 to i32
    %sign3A_37 = arith.constant 0 : i32
    %sign3A_38 = arith.cmpi slt, %jit3A_27, %sign3A_37 : i32
    %sign3A_39 = arith.extui %sign3A_38 : i1 to i32
    %sign3A_40 = arith.subi %sign3A_36, %sign3A_39 : i32
    %ne3A_41 = arith.cmpi ne, %sign3A_33, %sign3A_40 : i32
    %rem3A_42 = arith.remsi %add3A_15, %jit3A_27 : i32
    %ne3A_43 = arith.constant 0 : i32
    %ne3A_44 = arith.cmpi ne, %rem3A_42, %ne3A_43 : i32
    %and3A_45 = arith.andi %ne3A_41, %ne3A_44 : i1
    %sub3A = arith.constant 1 : i32
    %sub3A_46 = arith.subi %div3A, %sub3A : i32
    %select_n3A_47 = arith.select %and3A_45, %sub3A_46, %div3A : i32
    %mul3A_48 = arith.constant 1024 : i32
    %mul3A_49 = arith.muli %select_n3A_47, %mul3A_48 : i32
    %multiple_of3A_50 = tpu.assume_multiple %mul3A_49, 1024 : i32
    %add3A_51 = vector.broadcast %mul3A_26 : i32 to vector<16xi32>
    %add3A_52 = arith.addi %add3A_51, %iota3A : vector<16xi32>
    %min3A_53 = arith.constant 99 : i32
    %min3A_54 = vector.broadcast %min3A_53 : i32 to vector<16xi32>
    %min3A_55 = arith.minsi %add3A_52, %min3A_54 : vector<16xi32>
    %gather3A_56 = tpu.vector_load_idx %arg5[%min3A_55] : memref<100xi32, #tpu.memory_space<vmem>>[vector<16xi32>], vector<16xi32>,
    %dma_start3A_57 = arith.constant 0 : i32
    %dma_start3A_58 = tpu.memref_slice %arg2[%dma_start3A_57, %multiple_of3A_50] : memref<200x16384xf32, #tpu.memory_space<hbm>> -> memref<200x1024xf32, #tpu.memory_space<hbm>>
    tpu.enqueue_indirect_dma source(%dma_start3A_58 : memref<200x1024xf32, #tpu.memory_space<hbm>>) target(%arg7 : memref<16x1024xf32, #tpu.memory_space<vmem>>) offsets(%gather3A_56 : vector<16xi32>) semaphore(%arg11 : memref<!tpu.dma_semaphore, #tpu.memory_space<semaphore_mem>>)
    %mul3A_59 = arith.constant 3 : i32
    %mul3A_60 = arith.muli %add3A, %mul3A_59 : i32
    %add3A_61 = arith.constant 1 : i32
    %add3A_62 = arith.addi %mul3A_60, %add3A_61 : i32
    %jit3A_63 = arith.constant 6 : i32
    %eq3A_64 = arith.constant 0 : i32
    %eq3A_65 = arith.cmpi eq, %jit3A_63, %eq3A_64 : i32
    %jit3A_66 = arith.constant 1 : i32
    %select_n3A_67 = arith.select %eq3A_65, %jit3A_66, %jit3A_63 : i32
    %rem3A_68 = arith.remsi %add3A_62, %select_n3A_67 : i32
    %ne3A_69 = arith.constant 0 : i32
    %ne3A_70 = arith.cmpi ne, %rem3A_68, %ne3A_69 : i32
    %lt3A_71 = arith.constant 0 : i32
    %lt3A_72 = arith.cmpi slt, %rem3A_68, %lt3A_71 : i32
    %lt3A_73 = arith.constant 0 : i32
    %lt3A_74 = arith.cmpi slt, %select_n3A_67, %lt3A_73 : i32
    %ne3A_75 = arith.xori %lt3A_72, %lt3A_74 : i1
    %and3A_76 = arith.andi %ne3A_75, %ne3A_70 : i1
    %add3A_77 = arith.addi %rem3A_68, %select_n3A_67 : i32
    %select_n3A_78 = arith.select %and3A_76, %add3A_77, %rem3A_68 : i32
    %mul3A_79 = arith.constant 16 : i32
    %mul3A_80 = arith.muli %select_n3A_78, %mul3A_79 : i32
    %jit3A_81 = arith.constant 6 : i32
    %div3A_82 = arith.divsi %add3A_62, %jit3A_81 : i32
    %sign3A_83 = arith.constant 0 : i32
    %sign3A_84 = arith.cmpi sgt, %add3A_62, %sign3A_83 : i32
    %sign3A_85 = arith.extui %sign3A_84 : i1 to i32
    %sign3A_86 = arith.constant 0 : i32
    %sign3A_87 = arith.cmpi slt, %add3A_62, %sign3A_86 : i32
    %sign3A_88 = arith.extui %sign3A_87 : i1 to i32
    %sign3A_89 = arith.subi %sign3A_85, %sign3A_88 : i32
    %sign3A_90 = arith.constant 0 : i32
    %sign3A_91 = arith.cmpi sgt, %jit3A_81, %sign3A_90 : i32
    %sign3A_92 = arith.extui %sign3A_91 : i1 to i32
    %sign3A_93 = arith.constant 0 : i32
    %sign3A_94 = arith.cmpi slt, %jit3A_81, %sign3A_93 : i32
    %sign3A_95 = arith.extui %sign3A_94 : i1 to i32
    %sign3A_96 = arith.subi %sign3A_92, %sign3A_95 : i32
    %ne3A_97 = arith.cmpi ne, %sign3A_89, %sign3A_96 : i32
    %rem3A_98 = arith.remsi %add3A_62, %jit3A_81 : i32
    %ne3A_99 = arith.constant 0 : i32
    %ne3A_100 = arith.cmpi ne, %rem3A_98, %ne3A_99 : i32
    %and3A_101 = arith.andi %ne3A_97, %ne3A_100 : i1
    %sub3A_102 = arith.constant 1 : i32
    %sub3A_103 = arith.subi %div3A_82, %sub3A_102 : i32
    %select_n3A_104 = arith.select %and3A_101, %sub3A_103, %div3A_82 : i32
    %mul3A_105 = arith.constant 1024 : i32
    %mul3A_106 = arith.muli %select_n3A_104, %mul3A_105 : i32
    %multiple_of3A_107 = tpu.assume_multiple %mul3A_106, 1024 : i32
    %add3A_108 = vector.broadcast %mul3A_80 : i32 to vector<16xi32>
    %add3A_109 = arith.addi %add3A_108, %iota3A : vector<16xi32>
    %min3A_110 = arith.constant 99 : i32
    %min3A_111 = vector.broadcast %min3A_110 : i32 to vector<16xi32>
    %min3A_112 = arith.minsi %add3A_109, %min3A_111 : vector<16xi32>
    %gather3A_113 = tpu.vector_load_idx %arg5[%min3A_112] : memref<100xi32, #tpu.memory_space<vmem>>[vector<16xi32>], vector<16xi32>,
    %dma_start3A_114 = arith.constant 0 : i32
    %dma_start3A_115 = tpu.memref_slice %arg2[%dma_start3A_114, %multiple_of3A_107] : memref<200x16384xf32, #tpu.memory_space<hbm>> -> memref<200x1024xf32, #tpu.memory_space<hbm>>
    tpu.enqueue_indirect_dma source(%dma_start3A_115 : memref<200x1024xf32, #tpu.memory_space<hbm>>) target(%arg8 : memref<16x1024xf32, #tpu.memory_space<vmem>>) offsets(%gather3A_113 : vector<16xi32>) semaphore(%arg12 : memref<!tpu.dma_semaphore, #tpu.memory_space<semaphore_mem>>)
    %mul3A_116 = arith.constant 3 : i32
    %mul3A_117 = arith.muli %add3A, %mul3A_116 : i32
    %add3A_118 = arith.constant 2 : i32
    %add3A_119 = arith.addi %mul3A_117, %add3A_118 : i32
    %jit3A_120 = arith.constant 6 : i32
    %eq3A_121 = arith.constant 0 : i32
    %eq3A_122 = arith.cmpi eq, %jit3A_120, %eq3A_121 : i32
    %jit3A_123 = arith.constant 1 : i32
    %select_n3A_124 = arith.select %eq3A_122, %jit3A_123, %jit3A_120 : i32
    %rem3A_125 = arith.remsi %add3A_119, %select_n3A_124 : i32
    %ne3A_126 = arith.constant 0 : i32
    %ne3A_127 = arith.cmpi ne, %rem3A_125, %ne3A_126 : i32
    %lt3A_128 = arith.constant 0 : i32
    %lt3A_129 = arith.cmpi slt, %rem3A_125, %lt3A_128 : i32
    %lt3A_130 = arith.constant 0 : i32
    %lt3A_131 = arith.cmpi slt, %select_n3A_124, %lt3A_130 : i32
    %ne3A_132 = arith.xori %lt3A_129, %lt3A_131 : i1
    %and3A_133 = arith.andi %ne3A_132, %ne3A_127 : i1
    %add3A_134 = arith.addi %rem3A_125, %select_n3A_124 : i32
    %select_n3A_135 = arith.select %and3A_133, %add3A_134, %rem3A_125 : i32
    %mul3A_136 = arith.constant 16 : i32
    %mul3A_137 = arith.muli %select_n3A_135, %mul3A_136 : i32
    %jit3A_138 = arith.constant 6 : i32
    %div3A_139 = arith.divsi %add3A_119, %jit3A_138 : i32
    %sign3A_140 = arith.constant 0 : i32
    %sign3A_141 = arith.cmpi sgt, %add3A_119, %sign3A_140 : i32
    %sign3A_142 = arith.extui %sign3A_141 : i1 to i32
    %sign3A_143 = arith.constant 0 : i32
    %sign3A_144 = arith.cmpi slt, %add3A_119, %sign3A_143 : i32
    %sign3A_145 = arith.extui %sign3A_144 : i1 to i32
    %sign3A_146 = arith.subi %sign3A_142, %sign3A_145 : i32
    %sign3A_147 = arith.constant 0 : i32
    %sign3A_148 = arith.cmpi sgt, %jit3A_138, %sign3A_147 : i32
    %sign3A_149 = arith.extui %sign3A_148 : i1 to i32
    %sign3A_150 = arith.constant 0 : i32
    %sign3A_151 = arith.cmpi slt, %jit3A_138, %sign3A_150 : i32
    %sign3A_152 = arith.extui %sign3A_151 : i1 to i32
    %sign3A_153 = arith.subi %sign3A_149, %sign3A_152 : i32
    %ne3A_154 = arith.cmpi ne, %sign3A_146, %sign3A_153 : i32
    %rem3A_155 = arith.remsi %add3A_119, %jit3A_138 : i32
    %ne3A_156 = arith.constant 0 : i32
    %ne3A_157 = arith.cmpi ne, %rem3A_155, %ne3A_156 : i32
    %and3A_158 = arith.andi %ne3A_154, %ne3A_157 : i1
    %sub3A_159 = arith.constant 1 : i32
    %sub3A_160 = arith.subi %div3A_139, %sub3A_159 : i32
    %select_n3A_161 = arith.select %and3A_158, %sub3A_160, %div3A_139 : i32
    %mul3A_162 = arith.constant 1024 : i32
    %mul3A_163 = arith.muli %select_n3A_161, %mul3A_162 : i32
    %multiple_of3A_164 = tpu.assume_multiple %mul3A_163, 1024 : i32
    %add3A_165 = vector.broadcast %mul3A_137 : i32 to vector<16xi32>
    %add3A_166 = arith.addi %add3A_165, %iota3A : vector<16xi32>
    %min3A_167 = arith.constant 99 : i32
    %min3A_168 = vector.broadcast %min3A_167 : i32 to vector<16xi32>
    %min3A_169 = arith.minsi %add3A_166, %min3A_168 : vector<16xi32>
    %gather3A_170 = tpu.vector_load_idx %arg5[%min3A_169] : memref<100xi32, #tpu.memory_space<vmem>>[vector<16xi32>], vector<16xi32>,
    %dma_start3A_171 = arith.constant 0 : i32
    %dma_start3A_172 = tpu.memref_slice %arg2[%dma_start3A_171, %multiple_of3A_164] : memref<200x16384xf32, #tpu.memory_space<hbm>> -> memref<200x1024xf32, #tpu.memory_space<hbm>>
    tpu.enqueue_indirect_dma source(%dma_start3A_172 : memref<200x1024xf32, #tpu.memory_space<hbm>>) target(%arg9 : memref<16x1024xf32, #tpu.memory_space<vmem>>) offsets(%gather3A_170 : vector<16xi32>) semaphore(%arg13 : memref<!tpu.dma_semaphore, #tpu.memory_space<semaphore_mem>>)
    %dma_wait3A = arith.constant 0 : i32
    %dma_wait3A_173 = arith.constant 0 : i32
    %dma_wait3A_174 = tpu.memref_slice %arg6[%dma_wait3A, %dma_wait3A_173] : memref<16x1024xf32, #tpu.memory_space<vmem>> -> memref<16x512xf32, #tpu.memory_space<vmem>>
    %dma_wait3A_175 = arith.constant 0 : i32
    %dma_wait3A_176 = tpu.memref_slice %arg2[%dma_wait3A_175, %multiple_of3A] : memref<200x16384xf32, #tpu.memory_space<hbm>> -> memref<200x512xf32, #tpu.memory_space<hbm>>
    tpu.wait_indirect_dma semaphore(%arg10 : memref<!tpu.dma_semaphore, #tpu.memory_space<semaphore_mem>>) src(%dma_wait3A_176 : memref<200x512xf32, #tpu.memory_space<hbm>>) dst(%dma_wait3A_174 : memref<16x512xf32, #tpu.memory_space<vmem>>)
    %mul3A_177 = arith.constant 512 : i32
    %mul3A_178 = arith.muli %add3A, %mul3A_177 : i32
    %multiple_of3A_179 = tpu.assume_multiple %mul3A_178, 512 : i32
    %dma_start3A_180 = arith.constant 0 : i32
    %dma_start3A_181 = arith.constant 96 : i32
    %dma_start3A_182 = arith.constant 0 : i32
    %dma_start3A_183 = tpu.memref_slice %arg6[%dma_start3A_180, %dma_start3A_182] : memref<16x1024xf32, #tpu.memory_space<vmem>> -> memref<1x512xf32, #tpu.memory_space<vmem>>
    %dma_start3A_184 = tpu.memref_squeeze %dma_start3A_183 : memref<1x512xf32, #tpu.memory_space<vmem>> -> memref<512xf32, #tpu.memory_space<vmem>>
    %dma_start3A_185 = tpu.memref_slice %arg4[%dma_start3A_181, %multiple_of3A_179] : memref<100x16384xf32, #tpu.memory_space<hbm>> -> memref<1x512xf32, #tpu.memory_space<hbm>>
    %dma_start3A_186 = tpu.memref_squeeze %dma_start3A_185 : memref<1x512xf32, #tpu.memory_space<hbm>> -> memref<512xf32, #tpu.memory_space<hbm>>
    %dma_start3A_187 = tpu.memref_slice %arg4[%dma_start3A_181, %multiple_of3A_179] : memref<100x16384xf32, #tpu.memory_space<hbm>> -> memref<1x512xf32, #tpu.memory_space<hbm>>
    %dma_start3A_188 = tpu.memref_squeeze %dma_start3A_187 : memref<1x512xf32, #tpu.memory_space<hbm>> -> memref<512xf32, #tpu.memory_space<hbm>>
    %dma_start3A_189 = arith.constant 0 : i32
    %dma_start3A_190 = tpu.memref_slice %arg6[%dma_start3A_180, %dma_start3A_189] : memref<16x1024xf32, #tpu.memory_space<vmem>> -> memref<1x512xf32, #tpu.memory_space<vmem>>
    %dma_start3A_191 = tpu.memref_squeeze %dma_start3A_190 : memref<1x512xf32, #tpu.memory_space<vmem>> -> memref<512xf32, #tpu.memory_space<vmem>>
    tpu.enqueue_dma source(%dma_start3A_191 : memref<512xf32, #tpu.memory_space<vmem>>) target(%dma_start3A_188 : memref<512xf32, #tpu.memory_space<hbm>>) target_semaphore(%arg14 : memref<!tpu.dma_semaphore, #tpu.memory_space<semaphore_mem>>)
    %dma_start3A_192 = arith.constant 1 : i32
    %dma_start3A_193 = arith.constant 97 : i32
    %dma_start3A_194 = arith.constant 0 : i32
    %dma_start3A_195 = tpu.memref_slice %arg6[%dma_start3A_192, %dma_start3A_194] : memref<16x1024xf32, #tpu.memory_space<vmem>> -> memref<1x512xf32, #tpu.memory_space<vmem>>
    %dma_start3A_196 = tpu.memref_squeeze %dma_start3A_195 : memref<1x512xf32, #tpu.memory_space<vmem>> -> memref<512xf32, #tpu.memory_space<vmem>>
    %dma_start3A_197 = tpu.memref_slice %arg4[%dma_start3A_193, %multiple_of3A_179] : memref<100x16384xf32, #tpu.memory_space<hbm>> -> memref<1x512xf32, #tpu.memory_space<hbm>>
    %dma_start3A_198 = tpu.memref_squeeze %dma_start3A_197 : memref<1x512xf32, #tpu.memory_space<hbm>> -> memref<512xf32, #tpu.memory_space<hbm>>
    %dma_start3A_199 = tpu.memref_slice %arg4[%dma_start3A_193, %multiple_of3A_179] : memref<100x16384xf32, #tpu.memory_space<hbm>> -> memref<1x512xf32, #tpu.memory_space<hbm>>
    %dma_start3A_200 = tpu.memref_squeeze %dma_start3A_199 : memref<1x512xf32, #tpu.memory_space<hbm>> -> memref<512xf32, #tpu.memory_space<hbm>>
    %dma_start3A_201 = arith.constant 0 : i32
    %dma_start3A_202 = tpu.memref_slice %arg6[%dma_start3A_192, %dma_start3A_201] : memref<16x1024xf32, #tpu.memory_space<vmem>> -> memref<1x512xf32, #tpu.memory_space<vmem>>
    %dma_start3A_203 = tpu.memref_squeeze %dma_start3A_202 : memref<1x512xf32, #tpu.memory_space<vmem>> -> memref<512xf32, #tpu.memory_space<vmem>>
    tpu.enqueue_dma source(%dma_start3A_203 : memref<512xf32, #tpu.memory_space<vmem>>) target(%dma_start3A_200 : memref<512xf32, #tpu.memory_space<hbm>>) target_semaphore(%arg14 : memref<!tpu.dma_semaphore, #tpu.memory_space<semaphore_mem>>)
    %dma_start3A_204 = arith.constant 2 : i32
    %dma_start3A_205 = arith.constant 98 : i32
    %dma_start3A_206 = arith.constant 0 : i32
    %dma_start3A_207 = tpu.memref_slice %arg6[%dma_start3A_204, %dma_start3A_206] : memref<16x1024xf32, #tpu.memory_space<vmem>> -> memref<1x512xf32, #tpu.memory_space<vmem>>
    %dma_start3A_208 = tpu.memref_squeeze %dma_start3A_207 : memref<1x512xf32, #tpu.memory_space<vmem>> -> memref<512xf32, #tpu.memory_space<vmem>>
    %dma_start3A_209 = tpu.memref_slice %arg4[%dma_start3A_205, %multiple_of3A_179] : memref<100x16384xf32, #tpu.memory_space<hbm>> -> memref<1x512xf32, #tpu.memory_space<hbm>>
    %dma_start3A_210 = tpu.memref_squeeze %dma_start3A_209 : memref<1x512xf32, #tpu.memory_space<hbm>> -> memref<512xf32, #tpu.memory_space<hbm>>
    %dma_start3A_211 = tpu.memref_slice %arg4[%dma_start3A_205, %multiple_of3A_179] : memref<100x16384xf32, #tpu.memory_space<hbm>> -> memref<1x512xf32, #tpu.memory_space<hbm>>
    %dma_start3A_212 = tpu.memref_squeeze %dma_start3A_211 : memref<1x512xf32, #tpu.memory_space<hbm>> -> memref<512xf32, #tpu.memory_space<hbm>>
    %dma_start3A_213 = arith.constant 0 : i32
    %dma_start3A_214 = tpu.memref_slice %arg6[%dma_start3A_204, %dma_start3A_213] : memref<16x1024xf32, #tpu.memory_space<vmem>> -> memref<1x512xf32, #tpu.memory_space<vmem>>
    %dma_start3A_215 = tpu.memref_squeeze %dma_start3A_214 : memref<1x512xf32, #tpu.memory_space<vmem>> -> memref<512xf32, #tpu.memory_space<vmem>>
    tpu.enqueue_dma source(%dma_start3A_215 : memref<512xf32, #tpu.memory_space<vmem>>) target(%dma_start3A_212 : memref<512xf32, #tpu.memory_space<hbm>>) target_semaphore(%arg14 : memref<!tpu.dma_semaphore, #tpu.memory_space<semaphore_mem>>)
    %dma_start3A_216 = arith.constant 3 : i32
    %dma_start3A_217 = arith.constant 99 : i32
    %dma_start3A_218 = arith.constant 0 : i32
    %dma_start3A_219 = tpu.memref_slice %arg6[%dma_start3A_216, %dma_start3A_218] : memref<16x1024xf32, #tpu.memory_space<vmem>> -> memref<1x512xf32, #tpu.memory_space<vmem>>
    %dma_start3A_220 = tpu.memref_squeeze %dma_start3A_219 : memref<1x512xf32, #tpu.memory_space<vmem>> -> memref<512xf32, #tpu.memory_space<vmem>>
    %dma_start3A_221 = tpu.memref_slice %arg4[%dma_start3A_217, %multiple_of3A_179] : memref<100x16384xf32, #tpu.memory_space<hbm>> -> memref<1x512xf32, #tpu.memory_space<hbm>>
    %dma_start3A_222 = tpu.memref_squeeze %dma_start3A_221 : memref<1x512xf32, #tpu.memory_space<hbm>> -> memref<512xf32, #tpu.memory_space<hbm>>
    %dma_start3A_223 = tpu.memref_slice %arg4[%dma_start3A_217, %multiple_of3A_179] : memref<100x16384xf32, #tpu.memory_space<hbm>> -> memref<1x512xf32, #tpu.memory_space<hbm>>
    %dma_start3A_224 = tpu.memref_squeeze %dma_start3A_223 : memref<1x512xf32, #tpu.memory_space<hbm>> -> memref<512xf32, #tpu.memory_space<hbm>>
    %dma_start3A_225 = arith.constant 0 : i32
    %dma_start3A_226 = tpu.memref_slice %arg6[%dma_start3A_216, %dma_start3A_225] : memref<16x1024xf32, #tpu.memory_space<vmem>> -> memref<1x512xf32, #tpu.memory_space<vmem>>
    %dma_start3A_227 = tpu.memref_squeeze %dma_start3A_226 : memref<1x512xf32, #tpu.memory_space<vmem>> -> memref<512xf32, #tpu.memory_space<vmem>>
    tpu.enqueue_dma source(%dma_start3A_227 : memref<512xf32, #tpu.memory_space<vmem>>) target(%dma_start3A_224 : memref<512xf32, #tpu.memory_space<hbm>>) target_semaphore(%arg14 : memref<!tpu.dma_semaphore, #tpu.memory_space<semaphore_mem>>)
    %dma_wait3A_228 = arith.constant 0 : i32
    %dma_wait3A_229 = tpu.memref_slice %arg2[%dma_wait3A_228, %multiple_of3A_50] : memref<200x16384xf32, #tpu.memory_space<hbm>> -> memref<200x1024xf32, #tpu.memory_space<hbm>>
    tpu.wait_indirect_dma semaphore(%arg11 : memref<!tpu.dma_semaphore, #tpu.memory_space<semaphore_mem>>) src(%dma_wait3A_229 : memref<200x1024xf32, #tpu.memory_space<hbm>>) dst(%arg7 : memref<16x1024xf32, #tpu.memory_space<vmem>>)
    %mul3A_230 = arith.constant 3 : i32
    %mul3A_231 = arith.muli %add3A, %mul3A_230 : i32
    %add3A_232 = arith.constant 0 : i32
    %add3A_233 = arith.addi %mul3A_231, %add3A_232 : i32
    %jit3A_234 = arith.constant 6 : i32
    %eq3A_235 = arith.constant 0 : i32
    %eq3A_236 = arith.cmpi eq, %jit3A_234, %eq3A_235 : i32
    %jit3A_237 = arith.constant 1 : i32
    %select_n3A_238 = arith.select %eq3A_236, %jit3A_237, %jit3A_234 : i32
    %rem3A_239 = arith.remsi %add3A_233, %select_n3A_238 : i32
    %ne3A_240 = arith.constant 0 : i32
    %ne3A_241 = arith.cmpi ne, %rem3A_239, %ne3A_240 : i32
    %lt3A_242 = arith.constant 0 : i32
    %lt3A_243 = arith.cmpi slt, %rem3A_239, %lt3A_242 : i32
    %lt3A_244 = arith.constant 0 : i32
    %lt3A_245 = arith.cmpi slt, %select_n3A_238, %lt3A_244 : i32
    %ne3A_246 = arith.xori %lt3A_243, %lt3A_245 : i1
    %and3A_247 = arith.andi %ne3A_246, %ne3A_241 : i1
    %add3A_248 = arith.addi %rem3A_239, %select_n3A_238 : i32
    %select_n3A_249 = arith.select %and3A_247, %add3A_248, %rem3A_239 : i32
    %mul3A_250 = arith.constant 16 : i32
    %mul3A_251 = arith.muli %select_n3A_249, %mul3A_250 : i32
    %jit3A_252 = arith.constant 6 : i32
    %div3A_253 = arith.divsi %add3A_233, %jit3A_252 : i32
    %sign3A_254 = arith.constant 0 : i32
    %sign3A_255 = arith.cmpi sgt, %add3A_233, %sign3A_254 : i32
    %sign3A_256 = arith.extui %sign3A_255 : i1 to i32
    %sign3A_257 = arith.constant 0 : i32
    %sign3A_258 = arith.cmpi slt, %add3A_233, %sign3A_257 : i32
    %sign3A_259 = arith.extui %sign3A_258 : i1 to i32
    %sign3A_260 = arith.subi %sign3A_256, %sign3A_259 : i32
    %sign3A_261 = arith.constant 0 : i32
    %sign3A_262 = arith.cmpi sgt, %jit3A_252, %sign3A_261 : i32
    %sign3A_263 = arith.extui %sign3A_262 : i1 to i32
    %sign3A_264 = arith.constant 0 : i32
    %sign3A_265 = arith.cmpi slt, %jit3A_252, %sign3A_264 : i32
    %sign3A_266 = arith.extui %sign3A_265 : i1 to i32
    %sign3A_267 = arith.subi %sign3A_263, %sign3A_266 : i32
    %ne3A_268 = arith.cmpi ne, %sign3A_260, %sign3A_267 : i32
    %rem3A_269 = arith.remsi %add3A_233, %jit3A_252 : i32
    %ne3A_270 = arith.constant 0 : i32
    %ne3A_271 = arith.cmpi ne, %rem3A_269, %ne3A_270 : i32
    %and3A_272 = arith.andi %ne3A_268, %ne3A_271 : i1
    %sub3A_273 = arith.constant 1 : i32
    %sub3A_274 = arith.subi %div3A_253, %sub3A_273 : i32
    %select_n3A_275 = arith.select %and3A_272, %sub3A_274, %div3A_253 : i32
    %mul3A_276 = arith.constant 1024 : i32
    %mul3A_277 = arith.muli %select_n3A_275, %mul3A_276 : i32
    %multiple_of3A_278 = tpu.assume_multiple %mul3A_277, 1024 : i32
    %dma_start3A_279 = tpu.memref_slice %arg4[%mul3A_251, %multiple_of3A_278] : memref<100x16384xf32, #tpu.memory_space<hbm>> -> memref<16x1024xf32, #tpu.memory_space<hbm>>
    %dma_start3A_280 = tpu.memref_slice %arg4[%mul3A_251, %multiple_of3A_278] : memref<100x16384xf32, #tpu.memory_space<hbm>> -> memref<16x1024xf32, #tpu.memory_space<hbm>>
    tpu.enqueue_dma source(%arg7 : memref<16x1024xf32, #tpu.memory_space<vmem>>) target(%dma_start3A_280 : memref<16x1024xf32, #tpu.memory_space<hbm>>) target_semaphore(%arg15 : memref<!tpu.dma_semaphore, #tpu.memory_space<semaphore_mem>>)
    %dma_wait3A_281 = arith.constant 0 : i32
    %dma_wait3A_282 = tpu.memref_slice %arg2[%dma_wait3A_281, %multiple_of3A_107] : memref<200x16384xf32, #tpu.memory_space<hbm>> -> memref<200x1024xf32, #tpu.memory_space<hbm>>
    tpu.wait_indirect_dma semaphore(%arg12 : memref<!tpu.dma_semaphore, #tpu.memory_space<semaphore_mem>>) src(%dma_wait3A_282 : memref<200x1024xf32, #tpu.memory_space<hbm>>) dst(%arg8 : memref<16x1024xf32, #tpu.memory_space<vmem>>)
    %mul3A_283 = arith.constant 3 : i32
    %mul3A_284 = arith.muli %add3A, %mul3A_283 : i32
    %add3A_285 = arith.constant 1 : i32
    %add3A_286 = arith.addi %mul3A_284, %add3A_285 : i32
    %jit3A_287 = arith.constant 6 : i32
    %eq3A_288 = arith.constant 0 : i32
    %eq3A_289 = arith.cmpi eq, %jit3A_287, %eq3A_288 : i32
    %jit3A_290 = arith.constant 1 : i32
    %select_n3A_291 = arith.select %eq3A_289, %jit3A_290, %jit3A_287 : i32
    %rem3A_292 = arith.remsi %add3A_286, %select_n3A_291 : i32
    %ne3A_293 = arith.constant 0 : i32
    %ne3A_294 = arith.cmpi ne, %rem3A_292, %ne3A_293 : i32
    %lt3A_295 = arith.constant 0 : i32
    %lt3A_296 = arith.cmpi slt, %rem3A_292, %lt3A_295 : i32
    %lt3A_297 = arith.constant 0 : i32
    %lt3A_298 = arith.cmpi slt, %select_n3A_291, %lt3A_297 : i32
    %ne3A_299 = arith.xori %lt3A_296, %lt3A_298 : i1
    %and3A_300 = arith.andi %ne3A_299, %ne3A_294 : i1
    %add3A_301 = arith.addi %rem3A_292, %select_n3A_291 : i32
    %select_n3A_302 = arith.select %and3A_300, %add3A_301, %rem3A_292 : i32
    %mul3A_303 = arith.constant 16 : i32
    %mul3A_304 = arith.muli %select_n3A_302, %mul3A_303 : i32
    %jit3A_305 = arith.constant 6 : i32
    %div3A_306 = arith.divsi %add3A_286, %jit3A_305 : i32
    %sign3A_307 = arith.constant 0 : i32
    %sign3A_308 = arith.cmpi sgt, %add3A_286, %sign3A_307 : i32
    %sign3A_309 = arith.extui %sign3A_308 : i1 to i32
    %sign3A_310 = arith.constant 0 : i32
    %sign3A_311 = arith.cmpi slt, %add3A_286, %sign3A_310 : i32
    %sign3A_312 = arith.extui %sign3A_311 : i1 to i32
    %sign3A_313 = arith.subi %sign3A_309, %sign3A_312 : i32
    %sign3A_314 = arith.constant 0 : i32
    %sign3A_315 = arith.cmpi sgt, %jit3A_305, %sign3A_314 : i32
    %sign3A_316 = arith.extui %sign3A_315 : i1 to i32
    %sign3A_317 = arith.constant 0 : i32
    %sign3A_318 = arith.cmpi slt, %jit3A_305, %sign3A_317 : i32
    %sign3A_319 = arith.extui %sign3A_318 : i1 to i32
    %sign3A_320 = arith.subi %sign3A_316, %sign3A_319 : i32
    %ne3A_321 = arith.cmpi ne, %sign3A_313, %sign3A_320 : i32
    %rem3A_322 = arith.remsi %add3A_286, %jit3A_305 : i32
    %ne3A_323 = arith.constant 0 : i32
    %ne3A_324 = arith.cmpi ne, %rem3A_322, %ne3A_323 : i32
    %and3A_325 = arith.andi %ne3A_321, %ne3A_324 : i1
    %sub3A_326 = arith.constant 1 : i32
    %sub3A_327 = arith.subi %div3A_306, %sub3A_326 : i32
    %select_n3A_328 = arith.select %and3A_325, %sub3A_327, %div3A_306 : i32
    %mul3A_329 = arith.constant 1024 : i32
    %mul3A_330 = arith.muli %select_n3A_328, %mul3A_329 : i32
    %multiple_of3A_331 = tpu.assume_multiple %mul3A_330, 1024 : i32
    %dma_start3A_332 = tpu.memref_slice %arg4[%mul3A_304, %multiple_of3A_331] : memref<100x16384xf32, #tpu.memory_space<hbm>> -> memref<16x1024xf32, #tpu.memory_space<hbm>>
    %dma_start3A_333 = tpu.memref_slice %arg4[%mul3A_304, %multiple_of3A_331] : memref<100x16384xf32, #tpu.memory_space<hbm>> -> memref<16x1024xf32, #tpu.memory_space<hbm>>
    tpu.enqueue_dma source(%arg8 : memref<16x1024xf32, #tpu.memory_space<vmem>>) target(%dma_start3A_333 : memref<16x1024xf32, #tpu.memory_space<hbm>>) target_semaphore(%arg16 : memref<!tpu.dma_semaphore, #tpu.memory_space<semaphore_mem>>)
    %dma_wait3A_334 = arith.constant 0 : i32
    %dma_wait3A_335 = tpu.memref_slice %arg2[%dma_wait3A_334, %multiple_of3A_164] : memref<200x16384xf32, #tpu.memory_space<hbm>> -> memref<200x1024xf32, #tpu.memory_space<hbm>>
    tpu.wait_indirect_dma semaphore(%arg13 : memref<!tpu.dma_semaphore, #tpu.memory_space<semaphore_mem>>) src(%dma_wait3A_335 : memref<200x1024xf32, #tpu.memory_space<hbm>>) dst(%arg9 : memref<16x1024xf32, #tpu.memory_space<vmem>>)
    %mul3A_336 = arith.constant 3 : i32
    %mul3A_337 = arith.muli %add3A, %mul3A_336 : i32
    %add3A_338 = arith.constant 2 : i32
    %add3A_339 = arith.addi %mul3A_337, %add3A_338 : i32
    %jit3A_340 = arith.constant 6 : i32
    %eq3A_341 = arith.constant 0 : i32
    %eq3A_342 = arith.cmpi eq, %jit3A_340, %eq3A_341 : i32
    %jit3A_343 = arith.constant 1 : i32
    %select_n3A_344 = arith.select %eq3A_342, %jit3A_343, %jit3A_340 : i32
    %rem3A_345 = arith.remsi %add3A_339, %select_n3A_344 : i32
    %ne3A_346 = arith.constant 0 : i32
    %ne3A_347 = arith.cmpi ne, %rem3A_345, %ne3A_346 : i32
    %lt3A_348 = arith.constant 0 : i32
    %lt3A_349 = arith.cmpi slt, %rem3A_345, %lt3A_348 : i32
    %lt3A_350 = arith.constant 0 : i32
    %lt3A_351 = arith.cmpi slt, %select_n3A_344, %lt3A_350 : i32
    %ne3A_352 = arith.xori %lt3A_349, %lt3A_351 : i1
    %and3A_353 = arith.andi %ne3A_352, %ne3A_347 : i1
    %add3A_354 = arith.addi %rem3A_345, %select_n3A_344 : i32
    %select_n3A_355 = arith.select %and3A_353, %add3A_354, %rem3A_345 : i32
    %mul3A_356 = arith.constant 16 : i32
    %mul3A_357 = arith.muli %select_n3A_355, %mul3A_356 : i32
    %jit3A_358 = arith.constant 6 : i32
    %div3A_359 = arith.divsi %add3A_339, %jit3A_358 : i32
    %sign3A_360 = arith.constant 0 : i32
    %sign3A_361 = arith.cmpi sgt, %add3A_339, %sign3A_360 : i32
    %sign3A_362 = arith.extui %sign3A_361 : i1 to i32
    %sign3A_363 = arith.constant 0 : i32
    %sign3A_364 = arith.cmpi slt, %add3A_339, %sign3A_363 : i32
    %sign3A_365 = arith.extui %sign3A_364 : i1 to i32
    %sign3A_366 = arith.subi %sign3A_362, %sign3A_365 : i32
    %sign3A_367 = arith.constant 0 : i32
    %sign3A_368 = arith.cmpi sgt, %jit3A_358, %sign3A_367 : i32
    %sign3A_369 = arith.extui %sign3A_368 : i1 to i32
    %sign3A_370 = arith.constant 0 : i32
    %sign3A_371 = arith.cmpi slt, %jit3A_358, %sign3A_370 : i32
    %sign3A_372 = arith.extui %sign3A_371 : i1 to i32
    %sign3A_373 = arith.subi %sign3A_369, %sign3A_372 : i32
    %ne3A_374 = arith.cmpi ne, %sign3A_366, %sign3A_373 : i32
    %rem3A_375 = arith.remsi %add3A_339, %jit3A_358 : i32
    %ne3A_376 = arith.constant 0 : i32
    %ne3A_377 = arith.cmpi ne, %rem3A_375, %ne3A_376 : i32
    %and3A_378 = arith.andi %ne3A_374, %ne3A_377 : i1
    %sub3A_379 = arith.constant 1 : i32
    %sub3A_380 = arith.subi %div3A_359, %sub3A_379 : i32
    %select_n3A_381 = arith.select %and3A_378, %sub3A_380, %div3A_359 : i32
    %mul3A_382 = arith.constant 1024 : i32
    %mul3A_383 = arith.muli %select_n3A_381, %mul3A_382 : i32
    %multiple_of3A_384 = tpu.assume_multiple %mul3A_383, 1024 : i32
    %dma_start3A_385 = tpu.memref_slice %arg4[%mul3A_357, %multiple_of3A_384] : memref<100x16384xf32, #tpu.memory_space<hbm>> -> memref<16x1024xf32, #tpu.memory_space<hbm>>
    %dma_start3A_386 = tpu.memref_slice %arg4[%mul3A_357, %multiple_of3A_384] : memref<100x16384xf32, #tpu.memory_space<hbm>> -> memref<16x1024xf32, #tpu.memory_space<hbm>>
    tpu.enqueue_dma source(%arg9 : memref<16x1024xf32, #tpu.memory_space<vmem>>) target(%dma_start3A_386 : memref<16x1024xf32, #tpu.memory_space<hbm>>) target_semaphore(%arg17 : memref<!tpu.dma_semaphore, #tpu.memory_space<semaphore_mem>>)
    %dma_wait3A_387 = arith.constant 0 : i32
    %dma_wait3A_388 = arith.constant 96 : i32
    %dma_wait3A_389 = arith.constant 0 : i32
    %dma_wait3A_390 = tpu.memref_slice %arg6[%dma_wait3A_387, %dma_wait3A_389] : memref<16x1024xf32, #tpu.memory_space<vmem>> -> memref<1x512xf32, #tpu.memory_space<vmem>>
    %dma_wait3A_391 = tpu.memref_squeeze %dma_wait3A_390 : memref<1x512xf32, #tpu.memory_space<vmem>> -> memref<512xf32, #tpu.memory_space<vmem>>
    %dma_wait3A_392 = tpu.memref_slice %arg4[%dma_wait3A_388, %multiple_of3A_179] : memref<100x16384xf32, #tpu.memory_space<hbm>> -> memref<1x512xf32, #tpu.memory_space<hbm>>
    %dma_wait3A_393 = tpu.memref_squeeze %dma_wait3A_392 : memref<1x512xf32, #tpu.memory_space<hbm>> -> memref<512xf32, #tpu.memory_space<hbm>>
    %dma_wait3A_394 = tpu.memref_slice %arg4[%dma_wait3A_388, %multiple_of3A_179] : memref<100x16384xf32, #tpu.memory_space<hbm>> -> memref<1x512xf32, #tpu.memory_space<hbm>>
    %dma_wait3A_395 = tpu.memref_squeeze %dma_wait3A_394 : memref<1x512xf32, #tpu.memory_space<hbm>> -> memref<512xf32, #tpu.memory_space<hbm>>
    %dma_wait3A_396 = arith.constant 0 : i32
    %dma_wait3A_397 = tpu.memref_slice %arg6[%dma_wait3A_387, %dma_wait3A_396] : memref<16x1024xf32, #tpu.memory_space<vmem>> -> memref<1x512xf32, #tpu.memory_space<vmem>>
    %dma_wait3A_398 = tpu.memref_squeeze %dma_wait3A_397 : memref<1x512xf32, #tpu.memory_space<vmem>> -> memref<512xf32, #tpu.memory_space<vmem>>
    tpu.wait_dma2 semaphore(%arg14 : memref<!tpu.dma_semaphore, #tpu.memory_space<semaphore_mem>>) src(%dma_wait3A_398 : memref<512xf32, #tpu.memory_space<vmem>>) dst(%dma_wait3A_395 : memref<512xf32, #tpu.memory_space<hbm>>)
    %dma_wait3A_399 = arith.constant 1 : i32
    %dma_wait3A_400 = arith.constant 97 : i32
    %dma_wait3A_401 = arith.constant 0 : i32
    %dma_wait3A_402 = tpu.memref_slice %arg6[%dma_wait3A_399, %dma_wait3A_401] : memref<16x1024xf32, #tpu.memory_space<vmem>> -> memref<1x512xf32, #tpu.memory_space<vmem>>
    %dma_wait3A_403 = tpu.memref_squeeze %dma_wait3A_402 : memref<1x512xf32, #tpu.memory_space<vmem>> -> memref<512xf32, #tpu.memory_space<vmem>>
    %dma_wait3A_404 = tpu.memref_slice %arg4[%dma_wait3A_400, %multiple_of3A_179] : memref<100x16384xf32, #tpu.memory_space<hbm>> -> memref<1x512xf32, #tpu.memory_space<hbm>>
    %dma_wait3A_405 = tpu.memref_squeeze %dma_wait3A_404 : memref<1x512xf32, #tpu.memory_space<hbm>> -> memref<512xf32, #tpu.memory_space<hbm>>
    %dma_wait3A_406 = tpu.memref_slice %arg4[%dma_wait3A_400, %multiple_of3A_179] : memref<100x16384xf32, #tpu.memory_space<hbm>> -> memref<1x512xf32, #tpu.memory_space<hbm>>
    %dma_wait3A_407 = tpu.memref_squeeze %dma_wait3A_406 : memref<1x512xf32, #tpu.memory_space<hbm>> -> memref<512xf32, #tpu.memory_space<hbm>>
    %dma_wait3A_408 = arith.constant 0 : i32
    %dma_wait3A_409 = tpu.memref_slice %arg6[%dma_wait3A_399, %dma_wait3A_408] : memref<16x1024xf32, #tpu.memory_space<vmem>> -> memref<1x512xf32, #tpu.memory_space<vmem>>
    %dma_wait3A_410 = tpu.memref_squeeze %dma_wait3A_409 : memref<1x512xf32, #tpu.memory_space<vmem>> -> memref<512xf32, #tpu.memory_space<vmem>>
    tpu.wait_dma2 semaphore(%arg14 : memref<!tpu.dma_semaphore, #tpu.memory_space<semaphore_mem>>) src(%dma_wait3A_410 : memref<512xf32, #tpu.memory_space<vmem>>) dst(%dma_wait3A_407 : memref<512xf32, #tpu.memory_space<hbm>>)
    %dma_wait3A_411 = arith.constant 2 : i32
    %dma_wait3A_412 = arith.constant 98 : i32
    %dma_wait3A_413 = arith.constant 0 : i32
    %dma_wait3A_414 = tpu.memref_slice %arg6[%dma_wait3A_411, %dma_wait3A_413] : memref<16x1024xf32, #tpu.memory_space<vmem>> -> memref<1x512xf32, #tpu.memory_space<vmem>>
    %dma_wait3A_415 = tpu.memref_squeeze %dma_wait3A_414 : memref<1x512xf32, #tpu.memory_space<vmem>> -> memref<512xf32, #tpu.memory_space<vmem>>
    %dma_wait3A_416 = tpu.memref_slice %arg4[%dma_wait3A_412, %multiple_of3A_179] : memref<100x16384xf32, #tpu.memory_space<hbm>> -> memref<1x512xf32, #tpu.memory_space<hbm>>
    %dma_wait3A_417 = tpu.memref_squeeze %dma_wait3A_416 : memref<1x512xf32, #tpu.memory_space<hbm>> -> memref<512xf32, #tpu.memory_space<hbm>>
    %dma_wait3A_418 = tpu.memref_slice %arg4[%dma_wait3A_412, %multiple_of3A_179] : memref<100x16384xf32, #tpu.memory_space<hbm>> -> memref<1x512xf32, #tpu.memory_space<hbm>>
    %dma_wait3A_419 = tpu.memref_squeeze %dma_wait3A_418 : memref<1x512xf32, #tpu.memory_space<hbm>> -> memref<512xf32, #tpu.memory_space<hbm>>
    %dma_wait3A_420 = arith.constant 0 : i32
    %dma_wait3A_421 = tpu.memref_slice %arg6[%dma_wait3A_411, %dma_wait3A_420] : memref<16x1024xf32, #tpu.memory_space<vmem>> -> memref<1x512xf32, #tpu.memory_space<vmem>>
    %dma_wait3A_422 = tpu.memref_squeeze %dma_wait3A_421 : memref<1x512xf32, #tpu.memory_space<vmem>> -> memref<512xf32, #tpu.memory_space<vmem>>
    tpu.wait_dma2 semaphore(%arg14 : memref<!tpu.dma_semaphore, #tpu.memory_space<semaphore_mem>>) src(%dma_wait3A_422 : memref<512xf32, #tpu.memory_space<vmem>>) dst(%dma_wait3A_419 : memref<512xf32, #tpu.memory_space<hbm>>)
    %dma_wait3A_423 = arith.constant 3 : i32
    %dma_wait3A_424 = arith.constant 99 : i32
    %dma_wait3A_425 = arith.constant 0 : i32
    %dma_wait3A_426 = tpu.memref_slice %arg6[%dma_wait3A_423, %dma_wait3A_425] : memref<16x1024xf32, #tpu.memory_space<vmem>> -> memref<1x512xf32, #tpu.memory_space<vmem>>
    %dma_wait3A_427 = tpu.memref_squeeze %dma_wait3A_426 : memref<1x512xf32, #tpu.memory_space<vmem>> -> memref<512xf32, #tpu.memory_space<vmem>>
    %dma_wait3A_428 = tpu.memref_slice %arg4[%dma_wait3A_424, %multiple_of3A_179] : memref<100x16384xf32, #tpu.memory_space<hbm>> -> memref<1x512xf32, #tpu.memory_space<hbm>>
    %dma_wait3A_429 = tpu.memref_squeeze %dma_wait3A_428 : memref<1x512xf32, #tpu.memory_space<hbm>> -> memref<512xf32, #tpu.memory_space<hbm>>
    %dma_wait3A_430 = tpu.memref_slice %arg4[%dma_wait3A_424, %multiple_of3A_179] : memref<100x16384xf32, #tpu.memory_space<hbm>> -> memref<1x512xf32, #tpu.memory_space<hbm>>
    %dma_wait3A_431 = tpu.memref_squeeze %dma_wait3A_430 : memref<1x512xf32, #tpu.memory_space<hbm>> -> memref<512xf32, #tpu.memory_space<hbm>>
    %dma_wait3A_432 = arith.constant 0 : i32
    %dma_wait3A_433 = tpu.memref_slice %arg6[%dma_wait3A_423, %dma_wait3A_432] : memref<16x1024xf32, #tpu.memory_space<vmem>> -> memref<1x512xf32, #tpu.memory_space<vmem>>
    %dma_wait3A_434 = tpu.memref_squeeze %dma_wait3A_433 : memref<1x512xf32, #tpu.memory_space<vmem>> -> memref<512xf32, #tpu.memory_space<vmem>>
    tpu.wait_dma2 semaphore(%arg14 : memref<!tpu.dma_semaphore, #tpu.memory_space<semaphore_mem>>) src(%dma_wait3A_434 : memref<512xf32, #tpu.memory_space<vmem>>) dst(%dma_wait3A_431 : memref<512xf32, #tpu.memory_space<hbm>>)
    %dma_wait3A_435 = tpu.memref_slice %arg4[%mul3A_251, %multiple_of3A_278] : memref<100x16384xf32, #tpu.memory_space<hbm>> -> memref<16x1024xf32, #tpu.memory_space<hbm>>
    %dma_wait3A_436 = tpu.memref_slice %arg4[%mul3A_251, %multiple_of3A_278] : memref<100x16384xf32, #tpu.memory_space<hbm>> -> memref<16x1024xf32, #tpu.memory_space<hbm>>
    tpu.wait_dma2 semaphore(%arg15 : memref<!tpu.dma_semaphore, #tpu.memory_space<semaphore_mem>>) src(%arg7 : memref<16x1024xf32, #tpu.memory_space<vmem>>) dst(%dma_wait3A_436 : memref<16x1024xf32, #tpu.memory_space<hbm>>)
    %dma_wait3A_437 = tpu.memref_slice %arg4[%mul3A_304, %multiple_of3A_331] : memref<100x16384xf32, #tpu.memory_space<hbm>> -> memref<16x1024xf32, #tpu.memory_space<hbm>>
    %dma_wait3A_438 = tpu.memref_slice %arg4[%mul3A_304, %multiple_of3A_331] : memref<100x16384xf32, #tpu.memory_space<hbm>> -> memref<16x1024xf32, #tpu.memory_space<hbm>>
    tpu.wait_dma2 semaphore(%arg16 : memref<!tpu.dma_semaphore, #tpu.memory_space<semaphore_mem>>) src(%arg8 : memref<16x1024xf32, #tpu.memory_space<vmem>>) dst(%dma_wait3A_438 : memref<16x1024xf32, #tpu.memory_space<hbm>>)
    %dma_wait3A_439 = tpu.memref_slice %arg4[%mul3A_357, %multiple_of3A_384] : memref<100x16384xf32, #tpu.memory_space<hbm>> -> memref<16x1024xf32, #tpu.memory_space<hbm>>
    %dma_wait3A_440 = tpu.memref_slice %arg4[%mul3A_357, %multiple_of3A_384] : memref<100x16384xf32, #tpu.memory_space<hbm>> -> memref<16x1024xf32, #tpu.memory_space<hbm>>
    tpu.wait_dma2 semaphore(%arg17 : memref<!tpu.dma_semaphore, #tpu.memory_space<semaphore_mem>>) src(%arg9 : memref<16x1024xf32, #tpu.memory_space<vmem>>) dst(%dma_wait3A_440 : memref<16x1024xf32, #tpu.memory_space<hbm>>)
    return
  }
}

</mosaic_0001>

<sc_bundles>
// kernel: kernel.3.cloned.1.call-start
scs
__scs_entry_jumppad:
0x0: {  	(pc) =	sbr.rel $0x88, $3  }
0x1: {  	(tag) =	ssettag $0x0;
	lr =	simm.s32 $0x1  }
0x2: {  	[smem:$0x3F9F] =	sst lr;
	_ =	strace $0xD0000000  }
0x3: {  	_ = 	snop  }
0x4: {  	_ = 	snop  }
0x5: {  	_ = 	snop  }
0x6: {  	_ = 	snop  }
0x7: {  	_ = 	snop  }
__scs_overlays_trampoline_lowered:
0x8: {  	[smem:$0x3FAE] =	sst s0  }
0x9: {  	[smem:$0x3FAF] =	sst s1  }
0xa: {  	[smem:$0x3FB0] =	sst s2  }
0xb: {  	[smem:$0x3FB1] =	sst s3  }
0xc: {  	[smem:$0x3FB2] =	sst s4  }
0xd: {  	[smem:$0x3FB3] =	sst s5  }
0xe: {  	[smem:$0x3FB4] =	sst s6  }
0xf: {  	[smem:$0x3FB5] =	sst s7  }
0x10: {  	[smem:$0x3FB6] =	sst s8  }
0x11: {  	[smem:$0x3FB7] =	sst s9;
	s0 =	simm.s32 @!p0 $0x0  }
0x12: {  	s1 =	sld [smem:$0x3F9D];
	s0 =	simm.s32 @p0 $0x1  }
0x13: {  	[smem:$0x3FB8] =	sst s0;
	s0 =	simm.s32 @!p1 $0x0  }
0x14: {  	s2 =	sld [smem:$0x3F9C];
	s0 =	simm.s32 @p1 $0x1  }
0x15: {  	[smem:$0x3FB9] =	sst s0;
	s0 =	simm.s32 @!p2 $0x0  }
0x16: {  	s3 =	sld [smem:$0x3FDB];
	s0 =	simm.s32 @p2 $0x1  }
0x17: {  	s4 =	simm.s32 $0x1BF5;
	[smem:$0x3FBB] =	sst s0  }
0x18: {  	s0 =	sld [smem:$0x3F9E];
	_ =	swait.ge [sflag:s4], $0x0  }
0x19: {  	s7 =	sld [smem:$0x3F9F]  }
0x1a: {  	s8 =	sadd.s32 $0xFFFFE003, lr  }
0x1b: {  	s9 =	sadd.s32 $0xFFFFFEF7, lr;
	s5 =	simm.s32 $0xFFFFFFFF;
	p2 =	slt.u32 s8, $0xFFFFF086  }
0x1c: {  	p1 =	slt.u32 s9, $0xF7A;
	s5 =	simm.s32 @!p2 $0x0  }
0x1d: {  	s5 =	simm.s32 @p1 $0x1;
	p0 =	seq.s32 s7, s2  }
0x1e: {  	s7 =	smul.u32 @!p0 $0xF7A, s2;
	p2 =	seq.s32 @!p0 s5, $0x0  }
0x1f: {  	s9 =	smul.u32 $0xF7A, s1;
	s8 =	simm.s32 @!p0 $0x1BF5;
	p2 =	por !p2, p0  }
0x20: {  	[sflag:s8] =	ssyncset.s32 @!p0 $0xFFFFF086;
	s6 =	sadd.s32 @!p0 s3, s7;
	s7 =	simm.s32 @!p0 $0x108  }
0x21: {  	s3 =	sadd.s32 s3, s9;
	s6 =	sadd.s32 @!p0 $0x88, s6;
	s7 =	simm.s32 @p2 $0x1082  }
0x22: {  	[simem:s7], [sflag:s8] =	dma.local @!p0 [hbm:s6], $0xF7A  }
0x23: {  	s9 =	sor.u32 $0xD0000000, s2;
	s6 =	simm.s32 $0x108;
	_ =	swait.ge @!p0 [sflag:s8], $0x0  }
0x24: {  	s3 =	sadd.s32 $0x88, s3;
	s6 =	simm.s32 @!p1 $0x1082;
	[sflag:s4] =	ssyncset.s32 $0xFFFFF086  }
0x25: {  	[simem:s6], [sflag:s4] =	dma.local [hbm:s3], $0xF7A  }
0x26: {  	[smem:$0x3F9F] =	sst s1;
	(tag) =	ssettag s2;
	_ =	strace s9  }
0x27: {  	s1 =	sld [smem:$0x3FAF]  }
0x28: {  	s2 =	sld [smem:$0x3FB0]  }
0x29: {  	s4 =	sld [smem:$0x3FB2]  }
0x2a: {  	p0 =	seq.s32 s5, $0x0;
	s5 =	sld [smem:$0x3FB3]  }
0x2b: {  	s6 =	sld [smem:$0x3FB4]  }
0x2c: {  	s7 =	sld [smem:$0x3FB5]  }
0x2d: {  	s3 =	simm.s32 $0x108;
	s8 =	sld [smem:$0x3FB6]  }
0x2e: {  	s3 =	simm.s32 @!p0 $0x1082;
	s9 =	sld [smem:$0x3FB7]  }
0x2f: {  	lr =	sadd.s32 s0, s3;
	s0 =	sld [smem:$0x3FAE]  }
0x30: {  	s3 =	sld [smem:$0x3FB1]  }
0x31: {  	[smem:$0x3FBA] =	sst s10  }
0x32: {  	s10 =	sld [smem:$0x3FB8];
	_ =	sdelay $0x3  }
0x33: {  	p0 =	seq.s32 s10, $0x1;
	s10 =	sld [smem:$0x3FBA];
	_ =	sdelay $0x3  }
0x34: {  	[smem:$0x3FBA] =	sst s10  }
0x35: {  	s10 =	sld [smem:$0x3FB9];
	_ =	sdelay $0x3  }
0x36: {  	p1 =	seq.s32 s10, $0x1;
	s10 =	sld [smem:$0x3FBA];
	_ =	sdelay $0x3  }
0x37: {  	[smem:$0x3FBA] =	sst s10  }
0x38: {  	s10 =	sld [smem:$0x3FBB]  }
0x39: {  	_ = 	snop;
	(pc) =	sbr.ind lr, $3  }
0x3a: {  	_ = 	snop  }
0x3b: {  	_ = 	snop  }
0x3c: {  	p2 =	seq.s32 s10, $0x1;
	s10 =	sld [smem:$0x3FBA]  }
0x3d: {  	_ =	shalt  }
0x3e: {  	_ =	shalt  }
0x3f: {  	_ =	shalt  }
0x40: {  	_ =	shalt  }
0x41: {  	_ =	shalt  }
0x42: {  	_ =	shalt  }
0x43: {  	_ =	shalt  }
0x44: {  	_ =	shalt  }
0x45: {  	_ =	shalt  }
0x46: {  	_ =	shalt  }
0x47: {  	_ =	shalt  }
0x48: {  	_ =	shalt  }
0x49: {  	_ =	shalt  }
0x4a: {  	_ =	shalt  }
0x4b: {  	_ =	shalt  }
0x4c: {  	_ =	shalt  }
0x4d: {  	_ =	shalt  }
0x4e: {  	_ =	shalt  }
0x4f: {  	_ =	shalt  }
0x50: {  	_ =	shalt  }
0x51: {  	_ =	shalt  }
0x52: {  	_ =	shalt  }
0x53: {  	_ =	shalt  }
0x54: {  	_ =	shalt  }
0x55: {  	_ =	shalt  }
0x56: {  	_ =	shalt  }
0x57: {  	_ =	shalt  }
0x58: {  	_ =	shalt  }
0x59: {  	_ =	shalt  }
0x5a: {  	_ =	shalt  }
0x5b: {  	_ =	shalt  }
0x5c: {  	_ =	shalt  }
0x5d: {  	_ =	shalt  }
0x5e: {  	_ =	shalt  }
0x5f: {  	_ =	shalt  }
0x60: {  	_ =	shalt  }
0x61: {  	_ =	shalt  }
0x62: {  	_ =	shalt  }
0x63: {  	_ =	shalt  }
0x64: {  	_ =	shalt  }
0x65: {  	_ =	shalt  }
0x66: {  	_ =	shalt  }
0x67: {  	_ =	shalt  }
0x68: {  	_ =	shalt  }
0x69: {  	_ =	shalt  }
0x6a: {  	_ =	shalt  }
0x6b: {  	_ =	shalt  }
0x6c: {  	_ =	shalt  }
0x6d: {  	_ =	shalt  }
0x6e: {  	_ =	shalt  }
0x6f: {  	_ =	shalt  }
0x70: {  	_ =	shalt  }
0x71: {  	_ =	shalt  }
0x72: {  	_ =	shalt  }
0x73: {  	_ =	shalt  }
0x74: {  	_ =	shalt  }
0x75: {  	_ =	shalt  }
0x76: {  	_ =	shalt  }
0x77: {  	_ =	shalt  }
0x78: {  	_ =	shalt  }
0x79: {  	_ =	shalt  }
0x7a: {  	_ =	shalt  }
0x7b: {  	_ =	shalt  }
0x7c: {  	_ =	shalt  }
0x7d: {  	_ =	shalt  }
0x7e: {  	_ =	shalt  }
0x7f: {  	_ =	shalt  }
0x80: {  	_ =	shalt  }
0x81: {  	_ =	shalt  }
0x82: {  	_ =	shalt  }
0x83: {  	_ =	shalt  }
0x84: {  	_ =	shalt  }
0x85: {  	_ =	shalt  }
0x86: {  	_ =	shalt  }
0x87: {  	_ =	shalt  }
.Lfunc_end0:
.L_simem_size_0:
called_computation_lowered:
.L_overlay_start_0:
0x88: {  	s2 =	sld [smem:$0x3FD9]  }
0x89: {  	s3 =	sld [smem:$0x3FFE];
	_ =	sdelay $0x1  }
0x8a: {  	s1 =	srdreg.scid  }
0x8b: {  	s0 =	sand.u32 $0x1, s1  }
0x8c: {  	s18 =	sshll.u32 s0, $0xA;
	s2 =	sadd.s32 s3, s2  }
0x8d: {  	s2 =	sadd.s32 s2, s18  }
0x8e: {  	[smem:$0x3FC6] =	sst s2  }
0x8f: {  	_ = 	snop  }
0x90: {  	s2 =	sld [smem:$0x3FC9]  }
0x91: {  	s19 =	sld [smem:$0x3FC8]  }
0x92: {  	s4 =	sld [smem:$0x3FD0];
	(tm) =	ssettm $0x1  }
0x93: {  	s5 =	sld [smem:$0x3FFB];
	_ =	sdelay $0x3  }
0x94: {  	_ =	strace s5  }
0x95: {  	s5 =	sld [smem:$0x3FFC];
	_ =	sdelay $0x3  }
0x96: {  	_ =	strace s5  }
0x97: {  	s5 =	sld [smem:$0x3FFD];
	_ =	sdelay $0x3  }
0x98: {  	_ =	strace s5  }
0x99: {  	_ =	strace $0x8FFFFFFF  }
0x9a: {  	s20 =	sld [smem:$0x3FDB];
	_ =	sdelay $0x1  }
0x9b: {  	s6 =	simm.s32 $_scs_section_size  }
0x9c: {  	s7 =	simm.s32 $_size__tile_overlayer_lowered;
	s8 =	simm.s32 $_tile_overlayer_lowered  }
0x9d: {  	s23 =	simm.s32 $0x1BFF;
	s22 =	sshll.u32 s8, $0x1;
	s5 =	sadd.s32 s6, s20  }
0x9e: {  	s9 =	simm.s32 $0x0;
	s21 =	sshll.u32 s7, $0x1;
	s7 =	sadd.s32 s22, s5  }
0x9f: {  	[timem:s9], [sflag:s23] =	dma.local [hbm:s7], s21  }
0xa0: {  	_ =	swait.ge [sflag:s23], s21  }
0xa1: {  	s6 =	ssub.s32 $0x0, s21;
	[sflag:s23] =	ssyncset.done $0x0  }
0xa2: {  	[sflag:s23] =	ssyncadd.s32 s6;
	_ =	sdelay $0x1  }
0xa3: {  	s24 =	simm.s32 $0x1B8B  }
0xa4: {  	_ =	swait.ge [sflag:s24], $0x1  }
0xa5: {  	[sflag:s24] =	ssyncset.done $0x0  }
0xa6: {  	s25 =	simm.s32 $0x1B8E;
	[sflag:s24] =	ssyncadd.s32 $0xFFFFFFFF  }
0xa7: {  	s26 =	simm.s32 $execute0_lowered;
	[smem:$0x3FD2] =	sst s25  }
0xa8: {  	s6 =	sshll.u32 s26, $0x1;
	_ =	strace $0x80000046;
	[dreg:$0x1] =	wrdreg $0xFFFFFFFF  }
0xa9: {  	s28 =	simm.s32 $_size_execute0_lowered;
	s5 =	sadd.s32 s5, s6;
	[dreg:$0x0] =	wrdreg $0x0  }
0xaa: {  	s6 =	sshll.u32 s28, $0x1;
	[dreg:$0x2] =	wrdreg s5  }
0xab: {  	[dreg:$0x3] =	wrdreg s6  }
0xac: {  	[dreg:$0x4] =	wrdreg $0xC0  }
0xad: {  	_ =	task [dreg:s9], $0x5FFFF  }
0xae: {  	[dreg:$0x1] =	wrdreg $0xFFFFFFFF  }
0xaf: {  	[dreg:$0x0] =	wrdreg $0x60  }
0xb0: {  	[dreg:$0x2] =	wrdreg s2  }
0xb1: {  	[dreg:$0x3] =	wrdreg s19  }
0xb2: {  	[dreg:$0x4] =	wrdreg s4  }
0xb3: {  	[dreg:$0x5] =	wrdreg $0x9  }
0xb4: {  	_ =	task.clear_ibuf [dreg:s9], $0x6FFFF;
	_ =	strace $0x90000046  }
0xb5: {  	s29 =	simm.s32 $0x9;
	_ =	strace $0x80000048  }
0xb6: {  	_ =	swait.ge [sflag:s29], $0x1  }
0xb7: {  	[sflag:s29] =	ssyncadd.s32 $0xFFFFFFFF  }
0xb8: {  	_ =	strace $0x90000048  }
0xb9: {  	_ =	sfence  }
0xba: {  	s30 =	sld [smem:$0x0];
	_ =	sdelay $0x2  }
0xbb: {  	s31 =	sshll.u32 s1, $0xD;
	s1 =	sshrl.u32 s1, $0x2  }
0xbc: {  	s3 =	sand.u32 $0x4000, s31;
	s1 =	sadd.s32 s1, s30  }
0xbd: {  	s0 =	sor.u32 s3, s0;
	s1 =	sshll.u32 s1, $0x11  }
0xbe: {  	s0 =	sor.u32 s1, s0  }
0xbf: {  	s0 =	sadd.s32 $0x8F2B, s0  }
0xc0: {  	[sflag:s0] =	ssyncadd.remote.s32 $0x1  }
0xc1: {  	_ =	sfence.sel $0xFFFF  }
0xc2: {  	[dreg:$0x0] =	wrdreg $0xFFFFFFFF;
	(pc) =	sbr.abs _section_cstart, $3  }
0xc3: {  	[dreg:$0x1] =	wrdreg $0xFFFFFFFF  }
0xc4: {  	_ =	task.clear_ibuf [dreg:s9], $0x2FFFF;
	_ =	strace $0x9FFFFFFF  }
0xc5: {  	(tm) =	ssettm $0x7FFFFFFF  }
tec
execute0_lowered:
.L_overlay_start_1:
0x0: {  	(tag) =	ssettag $0x1  }
0x1: {  	s1 =	srdreg.scid;
	s0 =	stileid.u32  }
0x2: {  	s4 =	sand.u32 $0x1, s1;
	s15 =	sshll.u32 s0, $0x1  }
0x3: {  	s6 =	rddreg [dreg:$0x0];
	s3 =	sor.u32 s4, s15  }
0x4: {  	s16 =	rddreg [dreg:$0x1];
	s2 =	smul.u32 $0x201, s3  }
0x5: {  	s7 =	rddreg [dreg:$0x2]  }
0x6: {  	[dreg:$0x4] =	wrdreg s16;
	s9 =	sadd.s32 $0xAB, s2;
	s2 =	simm.s32 $0x0  }
0x7: {  	s25 =	simm.s32 $0x2080;
	s26 =	simm.s32 $0x2880;
	[smem:$0x7FF] =	sst s2  }
0x8: {  	s5 =	smul.u32 $0x81, s3;
	_ =	strace $0x80000047;
	[dreg:$0x8] =	wrdreg s25  }
0x9: {  	s29 =	simm.s32 $0x4880;
	s30 =	simm.s32 $0x5080;
	[dreg:$0x9] =	wrdreg s26  }
0xa: {  	s31 =	simm.s32 $0x5880;
	s5 =	sshrl.u32 s5, $0x8;
	[dreg:$0xa] =	wrdreg s29  }
0xb: {  	s28 =	simm.s32 $0x8;
	s11 =	smul.u32 $0x6, s5;
	[dreg:$0xb] =	wrdreg s30  }
0xc: {  	s5 =	sshll.u32 s0, $0xA;
	s0 =	simm.s32 $0x6080;
	[dreg:$0xc] =	wrdreg s31  }
0xd: {  	s1 =	simm.s32 $0x6880;
	s8 =	smul.u32 $0x3, s3;
	[dreg:$0xd] =	wrdreg s0  }
0xe: {  	s16 =	simm.s32 $0x8880;
	s4 =	ssub.s32 $0x2, s4;
	[dreg:$0xe] =	wrdreg s1  }
0xf: {  	s12 =	sadd.s32 $0x2, s8;
	[dreg:$0x11] =	wrdreg s16;
	s25 =	simm.s32 $0xD080  }
0x10: {  	s10 =	sshrl.u32 s9, $0xA;
	s29 =	simm.s32 $0xD880;
	[dreg:$0x19] =	wrdreg s25  }
0x11: {  	s13 =	smul.u32 $0xAB, s12;
	s30 =	simm.s32 $0xE080;
	[dreg:$0x1a] =	wrdreg s29  }
0x12: {  	s9 =	sand.u32 $0x7C00, s9;
	s31 =	simm.s32 $0xE880;
	[dreg:$0x1b] =	wrdreg s30  }
0x13: {  	s10 =	smul.u32 $0x6, s10;
	s0 =	simm.s32 $0xF080;
	[dreg:$0x1c] =	wrdreg s31  }
0x14: {  	s19 =	sadd.s32 s7, s5;
	s1 =	simm.s32 $0xF880;
	[dreg:$0x1d] =	wrdreg s0  }
0x15: {  	s21 =	sadd.s32 s7, s9;
	s16 =	simm.s32 $0xC80;
	[dreg:$0x1e] =	wrdreg s1  }
0x16: {  	s26 =	sshll.u32 s3, $0x9;
	[smem:$0x7F1] =	sst s16;
	s25 =	simm.s32 $0x580  }
0x17: {  	s14 =	sshrl.u32 s13, $0xA;
	s29 =	simm.s32 $0xD80;
	[smem:$0x7F7] =	sst s25  }
0x18: {  	s3 =	sadd.s32 s6, s26;
	s16 =	simm.s32 $0x200;
	[smem:$0x7F9] =	sst s29  }
0x19: {  	s30 =	simm.s32 $0x600;
	s31 =	simm.s32 $0xE00;
	[smem:$0x7FA] =	sst s16  }
0x1a: {  	s10 =	ssub.s32 s8, s10;
	s8 =	ssub.s32 s8, s11;
	[smem:$0x7FB] =	sst s30  }
0x1b: {  	s14 =	smul.u32 $0x6, s14;
	s16 =	simm.s32 $0x8080;
	[smem:$0x7FD] =	sst s31  }
0x1c: {  	s25 =	simm.s32 $0x6;
	s10 =	sadd.s32 $0x1, s10;
	s15 =	sand.u32 $0xFF, s8  }
0x1d: {  	s8 =	sand.u32 $0xFC00, s13;
	s13 =	simm.s32 $0x7080;
	s11 =	sand.u32 $0xFF, s10  }
0x1e: {  	s17 =	ssub.s32 s12, s14;
	s18 =	sshll.u32 s15, $0xF;
	s23 =	sadd.s32 s7, s8  }
0x1f: {  	[dreg:$0xf] =	wrdreg s13;
	s14 =	simm.s32 $0x7880;
	s15 =	sshll.u32 s15, $0x4  }
0x20: {  	s10 =	sand.u32 $0xFF, s17;
	s12 =	sadd.s32 s18, s19;
	[dreg:$0x10] =	wrdreg s14  }
0x21: {  	s20 =	sshll.u32 s11, $0xF;
	s17 =	simm.s32 $0x9080;
	[dreg:$0x5] =	wrdreg s12  }
0x22: {  	v6 =	vlaneseq.u32;
	s18 =	simm.s32 $0x9880;
	s19 =	simm.s32 $0xA080;
	[dreg:$0x12] =	wrdreg s17  }
0x23: {  	s14 =	simm.s32 $0x480;
	v0 =	vor.u32 s15, v6;
	s15 =	simm.s32 $0x4080;
	[dreg:$0x13] =	wrdreg s18  }
0x24: {  	s12 =	sadd.s32 s20, s21;
	s22 =	sshll.u32 s10, $0xF;
	[dreg:$0x14] =	wrdreg s19  }
0x25: {  	s20 =	simm.s32 $0xA880;
	s21 =	simm.s32 $0xB080;
	[dreg:$0x1f] =	wrdreg s14  }
0x26: {  	s17 =	sshll.u32 s11, $0x4;
	s18 =	sshll.u32 s10, $0x4;
	[dreg:$0x6] =	wrdreg s12  }
0x27: {  	s19 =	simm.s32 $0x100;
	s14 =	simm.s32 $0x880;
	[dreg:$0x15] =	wrdreg s20  }
0x28: {  	s24 =	sadd.s32 s22, s23;
	[dreg:$0x16] =	wrdreg s21;
	s22 =	simm.s32 $0xB880  }
0x29: {  	s23 =	sshrl.u32 s4, $0x1;
	s20 =	sadd.s32 s26, s7;
	[smem:$0x7F2] =	sst s19  }
0x2a: {  	s21 =	simm.s32 $0x500;
	s26 =	simm.s32 $0x980;
	s12 =	simm.s32 $0x9  }
0x2b: {  	s19 =	simm.s32 $0xA00;
	v2 =	vor.u32 s17, v6;
	s17 =	simm.s32 $0xC080;
	[dreg:$0x7] =	wrdreg s24  }
0x2c: {  	v3 =	vor.u32 s18, v6;
	s18 =	simm.s32 $0x1;
	[dreg:$0x17] =	wrdreg s22;
	s24 =	simm.s32 $0xC880  }
0x2d: {  	s13 =	ssub.s32 s4, s23;
	s4 =	sadd.s32 s6, s5;
	s5 =	sadd.s32 s6, s9  }
0x2e: {  	s6 =	sadd.s32 s6, s8;
	s7 =	sadd.s32 $0x30000, s20;
	[smem:$0x7F3] =	sst s21  }
0x2f: {  	s22 =	simm.s32 $0x900;
	s8 =	sadd.s32 $0x30010, s20;
	[smem:$0x7F8] =	sst s26  }
0x30: {  	s23 =	simm.s32 $0xD00;
	s9 =	sadd.s32 $0x30020, s20;
	[smem:$0x7FC] =	sst s19  }
0x31: {  	v1 =	vimm.s32 $0x63626160;
	s10 =	sadd.s32 $0x30030, s20;
	s19 =	simm.s32 $0x2;
	[dreg:$0x18] =	wrdreg s24  }
0x32: {  	v4 =	vunpack.c.0.s8.s32 v1;
	v5 =	vshrl.u32 v6, $0x3;
	s20 =	simm.s32 $0x2000;
	s21 =	simm.s32 $0x20000;
	[smem:$0x7F4] =	sst s22  }
0x33: {  	vm0 =	vcmask $0xF00;
	v5 =	vmul.u32 $0x8, v5;
	v0 =	vmin.u32 v0, $0x63;
	s26 =	simm.s32 $0x7;
	[smem:$0x7F5] =	sst s23;
	s24 =	simm.s32 $0x180  }
0x34: {  	v1 =	vmin.u32 v2, $0x63;
	v2 =	vmin.u32 v3, $0x63;
	v3 =	vnsel vm0, $0x63, v4;
	s11 =	smax.u32 s13, $0x1;
	s13 =	simm.s32 $0x80;
	s22 =	simm.s32 $0x3  }
0x35: {  	vm0 =	vmmov $0xffff;
	v4 =	vand.u32 $0x7, v6;
	v6 =	vor.u32 $0x8, v6;
	s23 =	simm.s32 $0x4;
	[smem:$0x7F6] =	sst s24;
	s24 =	simm.s32 $0x5  }
.LBB2_1:
0x36: {  	s29 =	rddreg [dreg:$0x4]  }
0x37: {  	[tilespmem:s2], [sflag:$0x9] =	stream.linear.gather [hbm4b:s29+s2], $0x80, $0x38;
	[tilespmem:$0x10080] =	vst v63  }
0x38: {  	_ =	swait.ge [sflag:s12], $0x80  }
0x39: {  	[sflag:s12] =	ssyncset.done $0x0  }
0x3a: {  	[sflag:s12] =	ssyncadd.s32 $0xFFFFFF80  }
0x3b: {  	v7 =	vld.idx.msk [tilespmem:v3+s2+$0x0], $0xffff;
	_ =	sdelay $0x4  }
0x3c: {  	v8 =	vshll.u32 v7, $0x7  }
0x3d: {  	v7 =	vand.u32 $0x7, v7;
	v8 =	vand.u32 $0xFFFFFC00, v8  }
0x3e: {  	v7 =	vor.u32 v7, v8  }
0x3f: {  	v8 =	vperm.xlane v7, v4;
	_ =	sdelay $0x1  }
0x40: {  	v8 =	vadd.s32 v5, v8;
	_ =	sdelay $0x1  }
0x41: {  	v7 =	vperm.xlane v7, v6;
	_ =	sdelay $0x1  }
0x42: {  	v7 =	vadd.s32 v5, v7  }
0x43: {  	[tilespmem:s13], [sflag:$0x1] =	stream.indirect_vreg.gather [hbm4b:s3+s2], $0x80, v8, vm0, $0xb8;
	[tilespmem:$0x10080] =	vst v63  }
0x44: {  	s0 =	sadd.s32 $0x100, s3  }
0x45: {  	[tilespmem:s14], [sflag:$0x1] =	stream.indirect_vreg.gather [hbm4b:s0+s2], $0x80, v8, vm0, $0xb8;
	[tilespmem:$0x10080] =	vst v63  }
0x46: {  	s30 =	rddreg [dreg:$0x8]  }
0x47: {  	[tilespmem:s30], [sflag:$0x1] =	stream.indirect_vreg.gather [hbm4b:s3+s2], $0x80, v7, vm0, $0xb8;
	[tilespmem:$0x10080] =	vst v63  }
0x48: {  	s31 =	rddreg [dreg:$0x9]  }
0x49: {  	[tilespmem:s31], [sflag:$0x1] =	stream.indirect_vreg.gather [hbm4b:s0+s2], $0x80, v7, vm0, $0xb8;
	[tilespmem:$0x10080] =	vst v63  }
0x4a: {  	v7 =	vld.idx.msk [tilespmem:v0+s2+$0x0], $0xffff;
	_ =	sdelay $0x4  }
0x4b: {  	v8 =	vshll.u32 v7, $0x7  }
0x4c: {  	v7 =	vand.u32 $0x7, v7;
	v8 =	vand.u32 $0xFFFFFC00, v8  }
0x4d: {  	v7 =	vor.u32 v7, v8  }
0x4e: {  	v8 =	vperm.xlane v7, v4;
	_ =	sdelay $0x1  }
0x4f: {  	v8 =	vadd.s32 v5, v8;
	_ =	sdelay $0x4  }
0x50: {  	[tilespmem:s15], [sflag:$0x2] =	stream.indirect_vreg.gather [hbm4b:s4+s2], $0x80, v8, vm0, $0xb8;
	[tilespmem:$0x10080] =	vst v63  }
0x51: {  	s1 =	rddreg [dreg:$0xa];
	s30 =	sadd.s32 $0x100, s4;
	v7 =	vperm.xlane v7, v6  }
0x52: {  	[tilespmem:s1], [sflag:$0x2] =	stream.indirect_vreg.gather [hbm4b:s30+s2], $0x80, v8, vm0, $0xb8;
	[tilespmem:$0x10080] =	vst v63  }
0x53: {  	s29 =	sadd.s32 $0x200, s4;
	s0 =	rddreg [dreg:$0xb];
	v7 =	vadd.s32 v5, v7  }
0x54: {  	[tilespmem:s0], [sflag:$0x2] =	stream.indirect_vreg.gather [hbm4b:s29+s2], $0x80, v8, vm0, $0xb8;
	[tilespmem:$0x10080] =	vst v63  }
0x55: {  	s31 =	sadd.s32 $0x300, s4;
	s1 =	rddreg [dreg:$0xc]  }
0x56: {  	[tilespmem:s1], [sflag:$0x2] =	stream.indirect_vreg.gather [hbm4b:s31+s2], $0x80, v8, vm0, $0xb8;
	[tilespmem:$0x10080] =	vst v63  }
0x57: {  	s0 =	rddreg [dreg:$0xd]  }
0x58: {  	[tilespmem:s0], [sflag:$0x2] =	stream.indirect_vreg.gather [hbm4b:s4+s2], $0x80, v7, vm0, $0xb8;
	[tilespmem:$0x10080] =	vst v63  }
0x59: {  	s1 =	rddreg [dreg:$0xe]  }
0x5a: {  	[tilespmem:s1], [sflag:$0x2] =	stream.indirect_vreg.gather [hbm4b:s30+s2], $0x80, v7, vm0, $0xb8;
	[tilespmem:$0x10080] =	vst v63  }
0x5b: {  	s0 =	rddreg [dreg:$0xf]  }
0x5c: {  	[tilespmem:s0], [sflag:$0x2] =	stream.indirect_vreg.gather [hbm4b:s29+s2], $0x80, v7, vm0, $0xb8;
	[tilespmem:$0x10080] =	vst v63  }
0x5d: {  	s30 =	rddreg [dreg:$0x10]  }
0x5e: {  	[tilespmem:s30], [sflag:$0x2] =	stream.indirect_vreg.gather [hbm4b:s31+s2], $0x80, v7, vm0, $0xb8;
	[tilespmem:$0x10080] =	vst v63  }
0x5f: {  	v7 =	vld.idx.msk [tilespmem:v1+s2+$0x0], $0xffff;
	_ =	sdelay $0x4  }
0x60: {  	v8 =	vshll.u32 v7, $0x7  }
0x61: {  	v7 =	vand.u32 $0x7, v7;
	v8 =	vand.u32 $0xFFFFFC00, v8  }
0x62: {  	v7 =	vor.u32 v7, v8  }
0x63: {  	v8 =	vperm.xlane v7, v4;
	_ =	sdelay $0x1  }
0x64: {  	v8 =	vadd.s32 v5, v8;
	_ =	sdelay $0x4  }
0x65: {  	[tilespmem:s16], [sflag:$0x3] =	stream.indirect_vreg.gather [hbm4b:s5+s2], $0x80, v8, vm0, $0xb8;
	[tilespmem:$0x10080] =	vst v63  }
0x66: {  	s1 =	sadd.s32 $0x100, s5;
	s30 =	rddreg [dreg:$0x11];
	v7 =	vperm.xlane v7, v6  }
0x67: {  	[tilespmem:s30], [sflag:$0x3] =	stream.indirect_vreg.gather [hbm4b:s1+s2], $0x80, v8, vm0, $0xb8;
	[tilespmem:$0x10080] =	vst v63  }
0x68: {  	s0 =	sadd.s32 $0x200, s5;
	s31 =	rddreg [dreg:$0x12];
	v7 =	vadd.s32 v5, v7  }
0x69: {  	[tilespmem:s31], [sflag:$0x3] =	stream.indirect_vreg.gather [hbm4b:s0+s2], $0x80, v8, vm0, $0xb8;
	[tilespmem:$0x10080] =	vst v63  }
0x6a: {  	s29 =	sadd.s32 $0x300, s5;
	s30 =	rddreg [dreg:$0x13]  }
0x6b: {  	[tilespmem:s30], [sflag:$0x3] =	stream.indirect_vreg.gather [hbm4b:s29+s2], $0x80, v8, vm0, $0xb8;
	[tilespmem:$0x10080] =	vst v63  }
0x6c: {  	s31 =	rddreg [dreg:$0x14]  }
0x6d: {  	[tilespmem:s31], [sflag:$0x3] =	stream.indirect_vreg.gather [hbm4b:s5+s2], $0x80, v7, vm0, $0xb8;
	[tilespmem:$0x10080] =	vst v63  }
0x6e: {  	s30 =	rddreg [dreg:$0x15]  }
0x6f: {  	[tilespmem:s30], [sflag:$0x3] =	stream.indirect_vreg.gather [hbm4b:s1+s2], $0x80, v7, vm0, $0xb8;
	[tilespmem:$0x10080] =	vst v63  }
0x70: {  	s31 =	rddreg [dreg:$0x16]  }
0x71: {  	[tilespmem:s31], [sflag:$0x3] =	stream.indirect_vreg.gather [hbm4b:s0+s2], $0x80, v7, vm0, $0xb8;
	[tilespmem:$0x10080] =	vst v63  }
0x72: {  	s30 =	rddreg [dreg:$0x17]  }
0x73: {  	[tilespmem:s30], [sflag:$0x3] =	stream.indirect_vreg.gather [hbm4b:s29+s2], $0x80, v7, vm0, $0xb8;
	[tilespmem:$0x10080] =	vst v63  }
0x74: {  	v7 =	vld.idx.msk [tilespmem:v2+s2+$0x0], $0xffff;
	_ =	sdelay $0x4  }
0x75: {  	v8 =	vshll.u32 v7, $0x7  }
0x76: {  	v7 =	vand.u32 $0x7, v7;
	v8 =	vand.u32 $0xFFFFFC00, v8  }
0x77: {  	v7 =	vor.u32 v7, v8  }
0x78: {  	v8 =	vperm.xlane v7, v4;
	_ =	sdelay $0x1  }
0x79: {  	v8 =	vadd.s32 v5, v8;
	_ =	sdelay $0x4  }
0x7a: {  	[tilespmem:s17], [sflag:$0x4] =	stream.indirect_vreg.gather [hbm4b:s6+s2], $0x80, v8, vm0, $0xb8;
	[tilespmem:$0x10080] =	vst v63  }
0x7b: {  	s1 =	sadd.s32 $0x100, s6;
	s30 =	rddreg [dreg:$0x18];
	v7 =	vperm.xlane v7, v6  }
0x7c: {  	[tilespmem:s30], [sflag:$0x4] =	stream.indirect_vreg.gather [hbm4b:s1+s2], $0x80, v8, vm0, $0xb8;
	[tilespmem:$0x10080] =	vst v63  }
0x7d: {  	s31 =	rddreg [dreg:$0x19];
	s0 =	sadd.s32 $0x200, s6;
	v7 =	vadd.s32 v5, v7  }
0x7e: {  	[tilespmem:s31], [sflag:$0x4] =	stream.indirect_vreg.gather [hbm4b:s0+s2], $0x80, v8, vm0, $0xb8;
	[tilespmem:$0x10080] =	vst v63  }
0x7f: {  	s29 =	sadd.s32 $0x300, s6;
	s30 =	rddreg [dreg:$0x1a]  }
0x80: {  	[tilespmem:s30], [sflag:$0x4] =	stream.indirect_vreg.gather [hbm4b:s29+s2], $0x80, v8, vm0, $0xb8;
	[tilespmem:$0x10080] =	vst v63  }
0x81: {  	s31 =	rddreg [dreg:$0x1b]  }
0x82: {  	[tilespmem:s31], [sflag:$0x4] =	stream.indirect_vreg.gather [hbm4b:s6+s2], $0x80, v7, vm0, $0xb8;
	[tilespmem:$0x10080] =	vst v63  }
0x83: {  	s30 =	rddreg [dreg:$0x1c]  }
0x84: {  	[tilespmem:s30], [sflag:$0x4] =	stream.indirect_vreg.gather [hbm4b:s1+s2], $0x80, v7, vm0, $0xb8;
	[tilespmem:$0x10080] =	vst v63  }
0x85: {  	s31 =	rddreg [dreg:$0x1d]  }
0x86: {  	[tilespmem:s31], [sflag:$0x4] =	stream.indirect_vreg.gather [hbm4b:s0+s2], $0x80, v7, vm0, $0xb8;
	[tilespmem:$0x10080] =	vst v63  }
0x87: {  	s30 =	rddreg [dreg:$0x1e]  }
0x88: {  	[tilespmem:s30], [sflag:$0x4] =	stream.indirect_vreg.gather [hbm4b:s29+s2], $0x80, v7, vm0, $0xb8;
	[tilespmem:$0x10080] =	vst v63  }
0x89: {  	_ =	swait.ge [sflag:s18], $0x2000  }
0x8a: {  	[sflag:s18] =	ssyncset.done $0x0  }
0x8b: {  	[sflag:s18] =	ssyncadd.s32 $0xFFFFE000  }
0x8c: {  	[hbm4b:s7+s2] =	stream.linear.scatter [tilespmem:s13], [sflag:$0x5], $0x80, $0x38;
	[tilespmem:$0x10080] =	vst v63  }
0x8d: {  	s31 =	sadd.s32 $0x80, s7;
	s30 =	rddreg [dreg:$0x1f]  }
0x8e: {  	[hbm4b:s31+s2] =	stream.linear.scatter [tilespmem:s30], [sflag:$0x5], $0x80, $0x38;
	[tilespmem:$0x10080] =	vst v63  }
0x8f: {  	s29 =	sadd.s32 $0x100, s7;
	s1 =	sld [smem:$0x7F1]  }
0x90: {  	[hbm4b:s29+s2] =	stream.linear.scatter [tilespmem:s14], [sflag:$0x5], $0x80, $0x38;
	[tilespmem:$0x10080] =	vst v63  }
0x91: {  	s30 =	sadd.s32 $0x180, s7;
	s31 =	sld [smem:$0x7F2]  }
0x92: {  	[hbm4b:s30+s2] =	stream.linear.scatter [tilespmem:s1], [sflag:$0x5], $0x80, $0x38;
	[tilespmem:$0x10080] =	vst v63  }
0x93: {  	s1 =	sld [smem:$0x7F3]  }
0x94: {  	[hbm4b:s8+s2] =	stream.linear.scatter [tilespmem:s31], [sflag:$0x5], $0x80, $0x38;
	[tilespmem:$0x10080] =	vst v63  }
0x95: {  	s30 =	sld [smem:$0x7F4];
	s31 =	sadd.s32 $0x80, s8  }
0x96: {  	[hbm4b:s31+s2] =	stream.linear.scatter [tilespmem:s1], [sflag:$0x5], $0x80, $0x38;
	[tilespmem:$0x10080] =	vst v63  }
0x97: {  	s31 =	sadd.s32 $0x100, s8;
	s1 =	sld [smem:$0x7F5]  }
0x98: {  	[hbm4b:s31+s2] =	stream.linear.scatter [tilespmem:s30], [sflag:$0x5], $0x80, $0x38;
	[tilespmem:$0x10080] =	vst v63  }
0x99: {  	s30 =	sadd.s32 $0x180, s8;
	s31 =	sld [smem:$0x7F6]  }
0x9a: {  	[hbm4b:s30+s2] =	stream.linear.scatter [tilespmem:s1], [sflag:$0x5], $0x80, $0x38;
	[tilespmem:$0x10080] =	vst v63  }
0x9b: {  	s1 =	sld [smem:$0x7F7]  }
0x9c: {  	[hbm4b:s9+s2] =	stream.linear.scatter [tilespmem:s31], [sflag:$0x5], $0x80, $0x38;
	[tilespmem:$0x10080] =	vst v63  }
0x9d: {  	s30 =	sld [smem:$0x7F8];
	s31 =	sadd.s32 $0x80, s9  }
0x9e: {  	[hbm4b:s31+s2] =	stream.linear.scatter [tilespmem:s1], [sflag:$0x5], $0x80, $0x38;
	[tilespmem:$0x10080] =	vst v63  }
0x9f: {  	s31 =	sadd.s32 $0x100, s9;
	s1 =	sld [smem:$0x7F9]  }
0xa0: {  	[hbm4b:s31+s2] =	stream.linear.scatter [tilespmem:s30], [sflag:$0x5], $0x80, $0x38;
	[tilespmem:$0x10080] =	vst v63  }
0xa1: {  	s30 =	sadd.s32 $0x180, s9;
	s31 =	sld [smem:$0x7FA]  }
0xa2: {  	[hbm4b:s30+s2] =	stream.linear.scatter [tilespmem:s1], [sflag:$0x5], $0x80, $0x38;
	[tilespmem:$0x10080] =	vst v63  }
0xa3: {  	s1 =	sld [smem:$0x7FB]  }
0xa4: {  	[hbm4b:s10+s2] =	stream.linear.scatter [tilespmem:s31], [sflag:$0x5], $0x80, $0x38;
	[tilespmem:$0x10080] =	vst v63  }
0xa5: {  	s30 =	sadd.s32 $0x80, s10;
	s31 =	sld [smem:$0x7FC]  }
0xa6: {  	[hbm4b:s30+s2] =	stream.linear.scatter [tilespmem:s1], [sflag:$0x5], $0x80, $0x38;
	[tilespmem:$0x10080] =	vst v63  }
0xa7: {  	s1 =	sadd.s32 $0x100, s10;
	s30 =	sld [smem:$0x7FD]  }
0xa8: {  	[hbm4b:s1+s2] =	stream.linear.scatter [tilespmem:s31], [sflag:$0x5], $0x80, $0x38;
	[tilespmem:$0x10080] =	vst v63  }
0xa9: {  	s31 =	sadd.s32 $0x180, s10  }
0xaa: {  	[hbm4b:s31+s2] =	stream.linear.scatter [tilespmem:s30], [sflag:$0x5], $0x80, $0x38;
	[tilespmem:$0x10080] =	vst v63  }
0xab: {  	_ =	swait.ge [sflag:s19], $0x4000  }
0xac: {  	[sflag:s19] =	ssyncset.done $0x0  }
0xad: {  	s29 =	rddreg [dreg:$0x5];
	[sflag:s19] =	ssyncadd.s32 $0xFFFFC000  }
0xae: {  	[hbm4b:s29+s20] =	stream.strided.scatter [tilespmem:s15], [sflag:$0x6], $0x4000, s21, s20, $0x38;
	[tilespmem:$0x10080] =	vst v63  }
0xaf: {  	_ =	swait.ge [sflag:s22], $0x4000  }
0xb0: {  	[sflag:s22] =	ssyncset.done $0x0  }
0xb1: {  	s30 =	rddreg [dreg:$0x6];
	[sflag:s22] =	ssyncadd.s32 $0xFFFFC000  }
0xb2: {  	[hbm4b:s30+s20] =	stream.strided.scatter [tilespmem:s16], [sflag:$0x7], $0x4000, s21, s20, $0x38;
	[tilespmem:$0x10080] =	vst v63  }
0xb3: {  	_ =	swait.ge [sflag:s23], $0x4000  }
0xb4: {  	[sflag:s23] =	ssyncset.done $0x0  }
0xb5: {  	s31 =	rddreg [dreg:$0x7];
	[sflag:s23] =	ssyncadd.s32 $0xFFFFC000  }
0xb6: {  	[hbm4b:s31+s20] =	stream.strided.scatter [tilespmem:s17], [sflag:$0x8], $0x4000, s21, s20, $0x38;
	[tilespmem:$0x10080] =	vst v63  }
0xb7: {  	_ =	swait.ge [sflag:s24], $0x200  }
0xb8: {  	[sflag:s24] =	ssyncset.done $0x0  }
0xb9: {  	[sflag:s24] =	ssyncadd.s32 $0xFFFFFE00  }
0xba: {  	_ =	swait.ge [sflag:s24], $0x200  }
0xbb: {  	[sflag:s24] =	ssyncset.done $0x0  }
0xbc: {  	[sflag:s24] =	ssyncadd.s32 $0xFFFFFE00  }
0xbd: {  	_ =	swait.ge [sflag:s24], $0x200  }
0xbe: {  	[sflag:s24] =	ssyncset.done $0x0  }
0xbf: {  	[sflag:s24] =	ssyncadd.s32 $0xFFFFFE00  }
0xc0: {  	_ =	swait.ge [sflag:s24], $0x200  }
0xc1: {  	[sflag:s24] =	ssyncset.done $0x0  }
0xc2: {  	[sflag:s24] =	ssyncadd.s32 $0xFFFFFE00  }
0xc3: {  	_ =	swait.ge [sflag:s25], $0x4000  }
0xc4: {  	[sflag:s25] =	ssyncset.done $0x0  }
0xc5: {  	[sflag:s25] =	ssyncadd.s32 $0xFFFFC000  }
0xc6: {  	p0 =	sne.s32 s11, $0x1;
	_ =	swait.ge [sflag:s26], $0x4000  }
.Ltmp0:
0xc7: {  	[sflag:s26] =	ssyncset.done $0x0;
	(pc) =	sbr.rel @p0 .LBB2_1-.Ltmp0, $4  }
0xc8: {  	[sflag:s26] =	ssyncadd.s32 $0xFFFFC000  }
0xc9: {  	_ =	swait.ge [sflag:s28], $0x4000  }
0xca: {  	[sflag:s28] =	ssyncset.done $0x0  }
0xcb: {  	s11 =	sadd.s32 $0xFFFFFFFF, s11;
	[sflag:s28] =	ssyncadd.s32 $0xFFFFC000  }
0xcc: {  	_ =	sfence.sel $0x180000  }
0xcd: {  	[bflag:$0x0] =	sbarrier.arrive $0xFFFF  }
0xce: {  	_ =	strace $0x90000047  }
0xcf: {  	s0 =	stileid.u32;
	[bflag:$0x2] =	sbarrier.arrive $0xFFFF  }
0xd0: {  	p0 =	sne.s32 s0, $0x0;
	s0 =	rddreg [dreg:$0x3]  }
0xd1: {  	s0 =	sadd.s32 @!p0 $0x100000, s0  }
0xd2: {  	[sflag:s0] =	ssyncadd.tile.s32 @!p0 $0x1;
	_ =	shalt  }
.Lfunc_end2:
_tile_overlayer_lowered:
.L_overlay_start_2:
0xd3: {  	(tag) =	ssettag $0x2  }
0xd4: {  	s0 =	rddreg [dreg:$0x0];
	s2 =	stileid.u32  }
0xd5: {  	s1 =	rddreg [dreg:$0x1];
	p0 =	sne.s32 s2, $0x0  }
0xd6: {  	s3 =	rddreg [dreg:$0x2];
	[bflag:$0x3] =	sbarrier.arrive $0xFFFF;
	s2 =	simm.s32 @!p0 $0x1C09  }
0xd7: {  	[timem:s3], [sflag:s2] =	dma.local @!p0 [hbm:s0], s1  }
0xd8: {  	s0 =	simm.s32 @!p0 $0x9  }
0xd9: {  	_ =	swait.ge @!p0 [sflag:s0], s1  }
0xda: {  	s1 =	ssub.s32 @!p0 $0x0, s1;
	[sflag:s0] =	ssyncset.done @!p0 $0x0  }
0xdb: {  	[sflag:s0] =	ssyncadd.s32 @!p0 s1  }
0xdc: {  	[bflag:$0x3] =	sbarrier.arrive $0xFFFF  }
0xdd: {  	_ =	shalt  }

</sc_bundles>
